<compile_context>
chip_gen: v7x
topology: tpu7x:2x2x1
jax: 0.10.2.dev20260603
libtpu: 0.0.44.dev20260713+nightly
codegen_flags: <defaults>
</compile_context>

<pallas_src>
import functools

import jax
import jax.numpy as jnp
import numpy as np
from jax import lax
from jax.experimental import pallas as pl
from jax.experimental.pallas import tpu as pltpu
from jax.experimental.pallas import tpu_sc as plsc

_K = 32
_NBUF = 3


def _sc_body(h2_hbm, gidx_hbm, pos_hbm, emb_hbm, out_hbm,
             buf, gidx_v, posidx_v, embrow_v, in_sems, out_sems, aux_sem):
    bsz = out_hbm.shape[0]
    s = out_hbm.shape[1] - 1
    wpb = 8
    rows_pw = s // wpb
    nchunk = rows_pw // _K
    wid = lax.axis_index("s") * 2 + lax.axis_index("c")
    b = wid // wpb
    j = wid % wpb
    base = j * rows_pw

    pltpu.sync_copy(gidx_hbm.at[wid], gidx_v)
    pltpu.sync_copy(pos_hbm, posidx_v)
    emb_cp = pltpu.make_async_copy(emb_hbm.at[posidx_v], embrow_v, aux_sem)
    emb_cp.start()

    def in_cp(c):
        return pltpu.make_async_copy(
            h2_hbm.at[gidx_v.at[c]], buf.at[c % _NBUF], in_sems.at[c % _NBUF])

    def out_cp(c):
        dst = out_hbm.at[b, pl.ds(base + c * _K, _K), :]
        return pltpu.make_async_copy(buf.at[c % _NBUF], dst, out_sems.at[c % _NBUF])

    for c in range(min(_NBUF, nchunk)):
        in_cp(c).start()
    for c in range(nchunk):
        in_cp(c).wait()
        out_cp(c).start()
        nxt = c + _NBUF
        if nxt < nchunk:
            out_cp(nxt - _NBUF).wait()
            in_cp(nxt).start()
    for c in range(max(0, nchunk - _NBUF + 1), nchunk):
        out_cp(c).wait()
    emb_cp.wait()

    @pl.when(j == 0)
    def _():
        pltpu.sync_copy(embrow_v.at[pl.ds(0, 1)], out_hbm.at[b, pl.ds(0, 1), :])

    @pl.when(j == wpb - 1)
    def _():
        g = pltpu.make_async_copy(
            h2_hbm.at[gidx_v.at[nchunk]], buf.at[0], in_sems.at[0])
        g.start()
        g.wait()
        pltpu.sync_copy(buf.at[0, pl.ds(0, 1)], out_hbm.at[b, pl.ds(s, 1), :])


def _gather_indices(b, s):
    w = np.arange(32)
    bi, j = w // 8, w % 8
    c = np.arange(9)
    i = np.arange(_K)
    r = (j[:, None, None] * (s // 8) + c[None, :, None] * _K
         + i[None, None, :] - 1)
    idx = bi[:, None, None] * s + np.clip(r, 0, s - 1)
    idx[:, 8, :] = bi[:, None] * s + (s - 1)
    return jnp.asarray(idx, dtype=jnp.int32)


def kernel(hidden_states, position, embeddings):
    b, s, d = hidden_states.shape
    h2 = hidden_states.reshape(b * s, d)
    gidx = _gather_indices(b, s)
    pos_arr = jnp.broadcast_to(jnp.asarray(position, jnp.int32), (16,))
    mesh = plsc.VectorSubcoreMesh(core_axis_name="c", subcore_axis_name="s")
    run = functools.partial(
        pl.kernel,
        out_type=jax.ShapeDtypeStruct((b, s + 1, d), hidden_states.dtype),
        mesh=mesh,
        scratch_types=[
            pltpu.VMEM((_NBUF, _K, d), hidden_states.dtype),
            pltpu.VMEM((9, _K), jnp.int32),
            pltpu.VMEM((16,), jnp.int32),
            pltpu.VMEM((16, d), hidden_states.dtype),
            pltpu.SemaphoreType.DMA((_NBUF,)),
            pltpu.SemaphoreType.DMA((_NBUF,)),
            pltpu.SemaphoreType.DMA,
        ],
    )(_sc_body)
    return run(h2, gidx, pos_arr, embeddings)

# --- scband reference (transcript-rebuilt; emitter-appended) ---
"""Pipeline reference for scband-layer-shuffle-21509196218798 (READ-ONLY COPY).

The authoritative reference and input builder live on the scoring server;
editing this copy changes nothing except your own understanding.
"""

import jax, jax.numpy as jnp
import numpy as np

DEPTH = 24
NUM_DIMS = 1024
B = 4
S = 2048
POSITION = 12

def setup_inputs(seed: int = 0) -> dict:
    key = jax.random.key(seed)
    k1, k2 = jax.random.split(key)
    hidden_states = jax.random.normal(k1, (B, S, NUM_DIMS), dtype=jnp.float32)
    # learned parameter: per-layer position embedding table, init std=0.02
    embeddings = jax.random.normal(k2, (DEPTH, NUM_DIMS), dtype=jnp.float32) * 0.02
    return {"hidden_states": hidden_states, "position": POSITION, "embeddings": embeddings}

def reference(hidden_states, position, embeddings):
    # add_context: lookup row `position` of the depth-position table,
    # broadcast over batch, prepend as an extra token.
    pos_embed = embeddings[position]                                   # [d]
    pos_embed = jnp.broadcast_to(pos_embed, (hidden_states.shape[0], pos_embed.shape[-1]))  # [B, d]
    pos_embed = pos_embed[:, None, :]                                  # [B, 1, d]
    return jnp.concatenate([pos_embed, hidden_states], axis=1)        # [B, S+1, d]

if __name__ == "__main__":
    import jax
    _d = setup_inputs()
    print(jax.jit(kernel)(*tuple(_d.values())))

</pallas_src>

<mosaic_0001>
#map = affine_map<(d0, d1) -> (0, 0)>
#map1 = affine_map<(d0, d1) -> (0, 0, 0)>
#map2 = affine_map<(d0, d1) -> (0)>
module attributes {stable_mosaic.version = 14 : i64} {
  func.func @_sc_body(%arg0: i32, %arg1: i32, %arg2: memref<8192x1024xf32, #tpu.memory_space<hbm>>, %arg3: memref<32x9x32xi32, #tpu.memory_space<hbm>>, %arg4: memref<16xi32, #tpu.memory_space<hbm>>, %arg5: memref<24x1024xf32, #tpu.memory_space<hbm>>, %arg6: memref<4x2049x1024xf32, #tpu.memory_space<hbm>>, %arg7: memref<3x32x1024xf32, #tpu.memory_space<vmem>>, %arg8: memref<9x32xi32, #tpu.memory_space<vmem>>, %arg9: memref<16xi32, #tpu.memory_space<vmem>>, %arg10: memref<16x1024xf32, #tpu.memory_space<vmem>>, %arg11: memref<3x!tpu.dma_semaphore, #tpu.memory_space<semaphore_mem>>, %arg12: memref<3x!tpu.dma_semaphore, #tpu.memory_space<semaphore_mem>>, %arg13: memref<!tpu.dma_semaphore, #tpu.memory_space<semaphore_mem>>) attributes {dimension_semantics = [#tpu.dimension_semantics<core_parallel>, #tpu.dimension_semantics<subcore_parallel>], iteration_bounds = array<i64: 2, 16>, scalar_prefetch = 0 : i64, scratch_operands = 7 : i64, tpu.core_type = #tpu.core_type<sc_vector_subcore>, window_params = [{transform_indices = #map}, {transform_indices = #map1}, {transform_indices = #map2}, {transform_indices = #map}, {transform_indices = #map1}]} {
    %mul3A = arith.constant 2 : i32
    %mul3A_0 = arith.muli %arg1, %mul3A : i32
    %add3A = arith.addi %mul3A_0, %arg0 : i32
    %jit3A = arith.constant 8 : i32
    %div3A = arith.divsi %add3A, %jit3A : i32
    %sign3A = arith.constant 0 : i32
    %sign3A_1 = arith.cmpi sgt, %add3A, %sign3A : i32
    %sign3A_2 = arith.extui %sign3A_1 : i1 to i32
    %sign3A_3 = arith.constant 0 : i32
    %sign3A_4 = arith.cmpi slt, %add3A, %sign3A_3 : i32
    %sign3A_5 = arith.extui %sign3A_4 : i1 to i32
    %sign3A_6 = arith.subi %sign3A_2, %sign3A_5 : i32
    %sign3A_7 = arith.constant 0 : i32
    %sign3A_8 = arith.cmpi sgt, %jit3A, %sign3A_7 : i32
    %sign3A_9 = arith.extui %sign3A_8 : i1 to i32
    %sign3A_10 = arith.constant 0 : i32
    %sign3A_11 = arith.cmpi slt, %jit3A, %sign3A_10 : i32
    %sign3A_12 = arith.extui %sign3A_11 : i1 to i32
    %sign3A_13 = arith.subi %sign3A_9, %sign3A_12 : i32
    %ne3A = arith.cmpi ne, %sign3A_6, %sign3A_13 : i32
    %rem3A = arith.remsi %add3A, %jit3A : i32
    %ne3A_14 = arith.constant 0 : i32
    %ne3A_15 = arith.cmpi ne, %rem3A, %ne3A_14 : i32
    %and3A = arith.andi %ne3A, %ne3A_15 : i1
    %sub3A = arith.constant 1 : i32
    %sub3A_16 = arith.subi %div3A, %sub3A : i32
    %select_n3A = arith.select %and3A, %sub3A_16, %div3A : i32
    %jit3A_17 = arith.constant 8 : i32
    %eq3A = arith.constant 0 : i32
    %eq3A_18 = arith.cmpi eq, %jit3A_17, %eq3A : i32
    %jit3A_19 = arith.constant 1 : i32
    %select_n3A_20 = arith.select %eq3A_18, %jit3A_19, %jit3A_17 : i32
    %rem3A_21 = arith.remsi %add3A, %select_n3A_20 : i32
    %ne3A_22 = arith.constant 0 : i32
    %ne3A_23 = arith.cmpi ne, %rem3A_21, %ne3A_22 : i32
    %lt3A = arith.constant 0 : i32
    %lt3A_24 = arith.cmpi slt, %rem3A_21, %lt3A : i32
    %lt3A_25 = arith.constant 0 : i32
    %lt3A_26 = arith.cmpi slt, %select_n3A_20, %lt3A_25 : i32
    %ne3A_27 = arith.xori %lt3A_24, %lt3A_26 : i1
    %and3A_28 = arith.andi %ne3A_27, %ne3A_23 : i1
    %add3A_29 = arith.addi %rem3A_21, %select_n3A_20 : i32
    %select_n3A_30 = arith.select %and3A_28, %add3A_29, %rem3A_21 : i32
    %mul3A_31 = arith.constant 256 : i32
    %mul3A_32 = arith.muli %select_n3A_30, %mul3A_31 : i32
    "tpu.region"() ({
      %run_scoped3A = tpu.sem_alloc : memref<!tpu.dma_semaphore, #tpu.memory_space<semaphore_mem>>
      %dma_start3A_585 = arith.constant 0 : i32
      %dma_start3A_586 = arith.constant 0 : i32
      %dma_start3A_587 = tpu.memref_slice %arg3[%add3A, %dma_start3A_585, %dma_start3A_586] : memref<32x9x32xi32, #tpu.memory_space<hbm>> -> memref<1x9x32xi32, #tpu.memory_space<hbm>>
      %dma_start3A_588 = tpu.memref_squeeze %dma_start3A_587 : memref<1x9x32xi32, #tpu.memory_space<hbm>> -> memref<9x32xi32, #tpu.memory_space<hbm>>
      %dma_start3A_589 = arith.constant 0 : i32
      %dma_start3A_590 = arith.constant 0 : i32
      %dma_start3A_591 = tpu.memref_slice %arg3[%add3A, %dma_start3A_589, %dma_start3A_590] : memref<32x9x32xi32, #tpu.memory_space<hbm>> -> memref<1x9x32xi32, #tpu.memory_space<hbm>>
      %dma_start3A_592 = tpu.memref_squeeze %dma_start3A_591 : memref<1x9x32xi32, #tpu.memory_space<hbm>> -> memref<9x32xi32, #tpu.memory_space<hbm>>
      tpu.enqueue_dma source(%dma_start3A_592 : memref<9x32xi32, #tpu.memory_space<hbm>>) target(%arg8 : memref<9x32xi32, #tpu.memory_space<vmem>>) target_semaphore(%run_scoped3A : memref<!tpu.dma_semaphore, #tpu.memory_space<semaphore_mem>>)
      %dma_wait3A_593 = arith.constant 0 : i32
      %dma_wait3A_594 = arith.constant 0 : i32
      %dma_wait3A_595 = tpu.memref_slice %arg3[%add3A, %dma_wait3A_593, %dma_wait3A_594] : memref<32x9x32xi32, #tpu.memory_space<hbm>> -> memref<1x9x32xi32, #tpu.memory_space<hbm>>
      %dma_wait3A_596 = tpu.memref_squeeze %dma_wait3A_595 : memref<1x9x32xi32, #tpu.memory_space<hbm>> -> memref<9x32xi32, #tpu.memory_space<hbm>>
      %dma_wait3A_597 = arith.constant 0 : i32
      %dma_wait3A_598 = arith.constant 0 : i32
      %dma_wait3A_599 = tpu.memref_slice %arg3[%add3A, %dma_wait3A_597, %dma_wait3A_598] : memref<32x9x32xi32, #tpu.memory_space<hbm>> -> memref<1x9x32xi32, #tpu.memory_space<hbm>>
      %dma_wait3A_600 = tpu.memref_squeeze %dma_wait3A_599 : memref<1x9x32xi32, #tpu.memory_space<hbm>> -> memref<9x32xi32, #tpu.memory_space<hbm>>
      tpu.wait_dma2 semaphore(%run_scoped3A : memref<!tpu.dma_semaphore, #tpu.memory_space<semaphore_mem>>) src(%dma_wait3A_600 : memref<9x32xi32, #tpu.memory_space<hbm>>) dst(%arg8 : memref<9x32xi32, #tpu.memory_space<vmem>>)
      tpu.yield
    }) : () -> ()
    "tpu.region"() ({
      %run_scoped3A = tpu.sem_alloc : memref<!tpu.dma_semaphore, #tpu.memory_space<semaphore_mem>>
      tpu.enqueue_dma source(%arg4 : memref<16xi32, #tpu.memory_space<hbm>>) target(%arg9 : memref<16xi32, #tpu.memory_space<vmem>>) target_semaphore(%run_scoped3A : memref<!tpu.dma_semaphore, #tpu.memory_space<semaphore_mem>>)
      tpu.wait_dma2 semaphore(%run_scoped3A : memref<!tpu.dma_semaphore, #tpu.memory_space<semaphore_mem>>) src(%arg4 : memref<16xi32, #tpu.memory_space<hbm>>) dst(%arg9 : memref<16xi32, #tpu.memory_space<vmem>>)
      tpu.yield
    }) : () -> ()
    %dma_start3A = arith.constant 0 : i32
    %dma_start3A_33 = arith.constant 0 : i32
    %dma_start3A_34 = tpu.memref_slice %arg5[%dma_start3A, %dma_start3A_33] : memref<24x1024xf32, #tpu.memory_space<hbm>> -> memref<24x1024xf32, #tpu.memory_space<hbm>>
    tpu.enqueue_indirect_dma source(%dma_start3A_34 : memref<24x1024xf32, #tpu.memory_space<hbm>>) target(%arg10 : memref<16x1024xf32, #tpu.memory_space<vmem>>) offsets(%arg9 : memref<16xi32, #tpu.memory_space<vmem>>) semaphore(%arg13 : memref<!tpu.dma_semaphore, #tpu.memory_space<semaphore_mem>>)
    %dma_start3A_35 = arith.constant 0 : i32
    %dma_start3A_36 = arith.constant 0 : i32
    %dma_start3A_37 = arith.constant 0 : i32
    %dma_start3A_38 = arith.constant 0 : i32
    %dma_start3A_39 = arith.constant 0 : i32
    %dma_start3A_40 = tpu.memref_slice %arg7[%dma_start3A_36, %dma_start3A_38, %dma_start3A_39] : memref<3x32x1024xf32, #tpu.memory_space<vmem>> -> memref<1x32x1024xf32, #tpu.memory_space<vmem>>
    %dma_start3A_41 = tpu.memref_squeeze %dma_start3A_40 : memref<1x32x1024xf32, #tpu.memory_space<vmem>> -> memref<32x1024xf32, #tpu.memory_space<vmem>>
    %dma_start3A_42 = arith.constant 0 : i32
    %dma_start3A_43 = tpu.memref_slice %arg8[%dma_start3A_35, %dma_start3A_42] : memref<9x32xi32, #tpu.memory_space<vmem>> -> memref<1x32xi32, #tpu.memory_space<vmem>>
    %dma_start3A_44 = tpu.memref_squeeze %dma_start3A_43 : memref<1x32xi32, #tpu.memory_space<vmem>> -> memref<32xi32, #tpu.memory_space<vmem>>
    %dma_start3A_45 = arith.constant 0 : i32
    %dma_start3A_46 = arith.constant 0 : i32
    %dma_start3A_47 = tpu.memref_slice %arg2[%dma_start3A_45, %dma_start3A_46] : memref<8192x1024xf32, #tpu.memory_space<hbm>> -> memref<8192x1024xf32, #tpu.memory_space<hbm>>
    %dma_start3A_48 = tpu.memref_slice %arg11[%dma_start3A_37] : memref<3x!tpu.dma_semaphore, #tpu.memory_space<semaphore_mem>> -> memref<1x!tpu.dma_semaphore, #tpu.memory_space<semaphore_mem>>
    %dma_start3A_49 = tpu.memref_squeeze %dma_start3A_48 : memref<1x!tpu.dma_semaphore, #tpu.memory_space<semaphore_mem>> -> memref<!tpu.dma_semaphore, #tpu.memory_space<semaphore_mem>>
    tpu.enqueue_indirect_dma source(%dma_start3A_47 : memref<8192x1024xf32, #tpu.memory_space<hbm>>) target(%dma_start3A_41 : memref<32x1024xf32, #tpu.memory_space<vmem>>) offsets(%dma_start3A_44 : memref<32xi32, #tpu.memory_space<vmem>>) semaphore(%dma_start3A_49 : memref<!tpu.dma_semaphore, #tpu.memory_space<semaphore_mem>>)
    %dma_start3A_50 = arith.constant 1 : i32
    %dma_start3A_51 = arith.constant 1 : i32
    %dma_start3A_52 = arith.constant 1 : i32
    %dma_start3A_53 = arith.constant 0 : i32
    %dma_start3A_54 = arith.constant 0 : i32
    %dma_start3A_55 = tpu.memref_slice %arg7[%dma_start3A_51, %dma_start3A_53, %dma_start3A_54] : memref<3x32x1024xf32, #tpu.memory_space<vmem>> -> memref<1x32x1024xf32, #tpu.memory_space<vmem>>
    %dma_start3A_56 = tpu.memref_squeeze %dma_start3A_55 : memref<1x32x1024xf32, #tpu.memory_space<vmem>> -> memref<32x1024xf32, #tpu.memory_space<vmem>>
    %dma_start3A_57 = arith.constant 0 : i32
    %dma_start3A_58 = tpu.memref_slice %arg8[%dma_start3A_50, %dma_start3A_57] : memref<9x32xi32, #tpu.memory_space<vmem>> -> memref<1x32xi32, #tpu.memory_space<vmem>>
    %dma_start3A_59 = tpu.memref_squeeze %dma_start3A_58 : memref<1x32xi32, #tpu.memory_space<vmem>> -> memref<32xi32, #tpu.memory_space<vmem>>
    %dma_start3A_60 = arith.constant 0 : i32
    %dma_start3A_61 = arith.constant 0 : i32
    %dma_start3A_62 = tpu.memref_slice %arg2[%dma_start3A_60, %dma_start3A_61] : memref<8192x1024xf32, #tpu.memory_space<hbm>> -> memref<8192x1024xf32, #tpu.memory_space<hbm>>
    %dma_start3A_63 = tpu.memref_slice %arg11[%dma_start3A_52] : memref<3x!tpu.dma_semaphore, #tpu.memory_space<semaphore_mem>> -> memref<1x!tpu.dma_semaphore, #tpu.memory_space<semaphore_mem>>
    %dma_start3A_64 = tpu.memref_squeeze %dma_start3A_63 : memref<1x!tpu.dma_semaphore, #tpu.memory_space<semaphore_mem>> -> memref<!tpu.dma_semaphore, #tpu.memory_space<semaphore_mem>>
    tpu.enqueue_indirect_dma source(%dma_start3A_62 : memref<8192x1024xf32, #tpu.memory_space<hbm>>) target(%dma_start3A_56 : memref<32x1024xf32, #tpu.memory_space<vmem>>) offsets(%dma_start3A_59 : memref<32xi32, #tpu.memory_space<vmem>>) semaphore(%dma_start3A_64 : memref<!tpu.dma_semaphore, #tpu.memory_space<semaphore_mem>>)
    %dma_start3A_65 = arith.constant 2 : i32
    %dma_start3A_66 = arith.constant 2 : i32
    %dma_start3A_67 = arith.constant 2 : i32
    %dma_start3A_68 = arith.constant 0 : i32
    %dma_start3A_69 = arith.constant 0 : i32
    %dma_start3A_70 = tpu.memref_slice %arg7[%dma_start3A_66, %dma_start3A_68, %dma_start3A_69] : memref<3x32x1024xf32, #tpu.memory_space<vmem>> -> memref<1x32x1024xf32, #tpu.memory_space<vmem>>
    %dma_start3A_71 = tpu.memref_squeeze %dma_start3A_70 : memref<1x32x1024xf32, #tpu.memory_space<vmem>> -> memref<32x1024xf32, #tpu.memory_space<vmem>>
    %dma_start3A_72 = arith.constant 0 : i32
    %dma_start3A_73 = tpu.memref_slice %arg8[%dma_start3A_65, %dma_start3A_72] : memref<9x32xi32, #tpu.memory_space<vmem>> -> memref<1x32xi32, #tpu.memory_space<vmem>>
    %dma_start3A_74 = tpu.memref_squeeze %dma_start3A_73 : memref<1x32xi32, #tpu.memory_space<vmem>> -> memref<32xi32, #tpu.memory_space<vmem>>
    %dma_start3A_75 = arith.constant 0 : i32
    %dma_start3A_76 = arith.constant 0 : i32
    %dma_start3A_77 = tpu.memref_slice %arg2[%dma_start3A_75, %dma_start3A_76] : memref<8192x1024xf32, #tpu.memory_space<hbm>> -> memref<8192x1024xf32, #tpu.memory_space<hbm>>
    %dma_start3A_78 = tpu.memref_slice %arg11[%dma_start3A_67] : memref<3x!tpu.dma_semaphore, #tpu.memory_space<semaphore_mem>> -> memref<1x!tpu.dma_semaphore, #tpu.memory_space<semaphore_mem>>
    %dma_start3A_79 = tpu.memref_squeeze %dma_start3A_78 : memref<1x!tpu.dma_semaphore, #tpu.memory_space<semaphore_mem>> -> memref<!tpu.dma_semaphore, #tpu.memory_space<semaphore_mem>>
    tpu.enqueue_indirect_dma source(%dma_start3A_77 : memref<8192x1024xf32, #tpu.memory_space<hbm>>) target(%dma_start3A_71 : memref<32x1024xf32, #tpu.memory_space<vmem>>) offsets(%dma_start3A_74 : memref<32xi32, #tpu.memory_space<vmem>>) semaphore(%dma_start3A_79 : memref<!tpu.dma_semaphore, #tpu.memory_space<semaphore_mem>>)
    %dma_wait3A = arith.constant 0 : i32
    %dma_wait3A_80 = arith.constant 0 : i32
    %dma_wait3A_81 = arith.constant 0 : i32
    %dma_wait3A_82 = arith.constant 0 : i32
    %dma_wait3A_83 = arith.constant 0 : i32
    %dma_wait3A_84 = tpu.memref_slice %arg7[%dma_wait3A_80, %dma_wait3A_82, %dma_wait3A_83] : memref<3x32x1024xf32, #tpu.memory_space<vmem>> -> memref<1x32x1024xf32, #tpu.memory_space<vmem>>
    %dma_wait3A_85 = tpu.memref_squeeze %dma_wait3A_84 : memref<1x32x1024xf32, #tpu.memory_space<vmem>> -> memref<32x1024xf32, #tpu.memory_space<vmem>>
    %dma_wait3A_86 = arith.constant 0 : i32
    %dma_wait3A_87 = tpu.memref_slice %arg8[%dma_wait3A, %dma_wait3A_86] : memref<9x32xi32, #tpu.memory_space<vmem>> -> memref<1x32xi32, #tpu.memory_space<vmem>>
    %dma_wait3A_88 = tpu.memref_squeeze %dma_wait3A_87 : memref<1x32xi32, #tpu.memory_space<vmem>> -> memref<32xi32, #tpu.memory_space<vmem>>
    %dma_wait3A_89 = arith.constant 0 : i32
    %dma_wait3A_90 = arith.constant 0 : i32
    %dma_wait3A_91 = tpu.memref_slice %arg2[%dma_wait3A_89, %dma_wait3A_90] : memref<8192x1024xf32, #tpu.memory_space<hbm>> -> memref<8192x1024xf32, #tpu.memory_space<hbm>>
    %dma_wait3A_92 = tpu.memref_slice %arg11[%dma_wait3A_81] : memref<3x!tpu.dma_semaphore, #tpu.memory_space<semaphore_mem>> -> memref<1x!tpu.dma_semaphore, #tpu.memory_space<semaphore_mem>>
    %dma_wait3A_93 = tpu.memref_squeeze %dma_wait3A_92 : memref<1x!tpu.dma_semaphore, #tpu.memory_space<semaphore_mem>> -> memref<!tpu.dma_semaphore, #tpu.memory_space<semaphore_mem>>
    tpu.wait_indirect_dma semaphore(%dma_wait3A_93 : memref<!tpu.dma_semaphore, #tpu.memory_space<semaphore_mem>>) src(%dma_wait3A_91 : memref<8192x1024xf32, #tpu.memory_space<hbm>>) dst(%dma_wait3A_85 : memref<32x1024xf32, #tpu.memory_space<vmem>>)
    %add3A_94 = arith.constant 0 : i32
    %add3A_95 = arith.addi %mul3A_32, %add3A_94 : i32
    %dma_start3A_96 = arith.constant 0 : i32
    %dma_start3A_97 = arith.constant 0 : i32
    %dma_start3A_98 = arith.constant 0 : i32
    %dma_start3A_99 = arith.constant 0 : i32
    %dma_start3A_100 = tpu.memref_slice %arg7[%dma_start3A_96, %dma_start3A_98, %dma_start3A_99] : memref<3x32x1024xf32, #tpu.memory_space<vmem>> -> memref<1x32x1024xf32, #tpu.memory_space<vmem>>
    %dma_start3A_101 = tpu.memref_squeeze %dma_start3A_100 : memref<1x32x1024xf32, #tpu.memory_space<vmem>> -> memref<32x1024xf32, #tpu.memory_space<vmem>>
    %dma_start3A_102 = arith.constant 0 : i32
    %dma_start3A_103 = tpu.memref_slice %arg6[%select_n3A, %add3A_95, %dma_start3A_102] : memref<4x2049x1024xf32, #tpu.memory_space<hbm>> -> memref<1x32x1024xf32, #tpu.memory_space<hbm>>
    %dma_start3A_104 = tpu.memref_squeeze %dma_start3A_103 : memref<1x32x1024xf32, #tpu.memory_space<hbm>> -> memref<32x1024xf32, #tpu.memory_space<hbm>>
    %dma_start3A_105 = tpu.memref_slice %arg12[%dma_start3A_97] : memref<3x!tpu.dma_semaphore, #tpu.memory_space<semaphore_mem>> -> memref<1x!tpu.dma_semaphore, #tpu.memory_space<semaphore_mem>>
    %dma_start3A_106 = tpu.memref_squeeze %dma_start3A_105 : memref<1x!tpu.dma_semaphore, #tpu.memory_space<semaphore_mem>> -> memref<!tpu.dma_semaphore, #tpu.memory_space<semaphore_mem>>
    %dma_start3A_107 = arith.constant 0 : i32
    %dma_start3A_108 = tpu.memref_slice %arg6[%select_n3A, %add3A_95, %dma_start3A_107] : memref<4x2049x1024xf32, #tpu.memory_space<hbm>> -> memref<1x32x1024xf32, #tpu.memory_space<hbm>>
    %dma_start3A_109 = tpu.memref_squeeze %dma_start3A_108 : memref<1x32x1024xf32, #tpu.memory_space<hbm>> -> memref<32x1024xf32, #tpu.memory_space<hbm>>
    %dma_start3A_110 = arith.constant 0 : i32
    %dma_start3A_111 = arith.constant 0 : i32
    %dma_start3A_112 = tpu.memref_slice %arg7[%dma_start3A_96, %dma_start3A_110, %dma_start3A_111] : memref<3x32x1024xf32, #tpu.memory_space<vmem>> -> memref<1x32x1024xf32, #tpu.memory_space<vmem>>
    %dma_start3A_113 = tpu.memref_squeeze %dma_start3A_112 : memref<1x32x1024xf32, #tpu.memory_space<vmem>> -> memref<32x1024xf32, #tpu.memory_space<vmem>>
    tpu.enqueue_dma source(%dma_start3A_113 : memref<32x1024xf32, #tpu.memory_space<vmem>>) target(%dma_start3A_109 : memref<32x1024xf32, #tpu.memory_space<hbm>>) target_semaphore(%dma_start3A_106 : memref<!tpu.dma_semaphore, #tpu.memory_space<semaphore_mem>>)
    %add3A_114 = arith.constant 0 : i32
    %add3A_115 = arith.addi %mul3A_32, %add3A_114 : i32
    %dma_wait3A_116 = arith.constant 0 : i32
    %dma_wait3A_117 = arith.constant 0 : i32
    %dma_wait3A_118 = arith.constant 0 : i32
    %dma_wait3A_119 = arith.constant 0 : i32
    %dma_wait3A_120 = tpu.memref_slice %arg7[%dma_wait3A_116, %dma_wait3A_118, %dma_wait3A_119] : memref<3x32x1024xf32, #tpu.memory_space<vmem>> -> memref<1x32x1024xf32, #tpu.memory_space<vmem>>
    %dma_wait3A_121 = tpu.memref_squeeze %dma_wait3A_120 : memref<1x32x1024xf32, #tpu.memory_space<vmem>> -> memref<32x1024xf32, #tpu.memory_space<vmem>>
    %dma_wait3A_122 = arith.constant 0 : i32
    %dma_wait3A_123 = tpu.memref_slice %arg6[%select_n3A, %add3A_115, %dma_wait3A_122] : memref<4x2049x1024xf32, #tpu.memory_space<hbm>> -> memref<1x32x1024xf32, #tpu.memory_space<hbm>>
    %dma_wait3A_124 = tpu.memref_squeeze %dma_wait3A_123 : memref<1x32x1024xf32, #tpu.memory_space<hbm>> -> memref<32x1024xf32, #tpu.memory_space<hbm>>
    %dma_wait3A_125 = tpu.memref_slice %arg12[%dma_wait3A_117] : memref<3x!tpu.dma_semaphore, #tpu.memory_space<semaphore_mem>> -> memref<1x!tpu.dma_semaphore, #tpu.memory_space<semaphore_mem>>
    %dma_wait3A_126 = tpu.memref_squeeze %dma_wait3A_125 : memref<1x!tpu.dma_semaphore, #tpu.memory_space<semaphore_mem>> -> memref<!tpu.dma_semaphore, #tpu.memory_space<semaphore_mem>>
    %dma_wait3A_127 = arith.constant 0 : i32
    %dma_wait3A_128 = tpu.memref_slice %arg6[%select_n3A, %add3A_115, %dma_wait3A_127] : memref<4x2049x1024xf32, #tpu.memory_space<hbm>> -> memref<1x32x1024xf32, #tpu.memory_space<hbm>>
    %dma_wait3A_129 = tpu.memref_squeeze %dma_wait3A_128 : memref<1x32x1024xf32, #tpu.memory_space<hbm>> -> memref<32x1024xf32, #tpu.memory_space<hbm>>
    %dma_wait3A_130 = arith.constant 0 : i32
    %dma_wait3A_131 = arith.constant 0 : i32
    %dma_wait3A_132 = tpu.memref_slice %arg7[%dma_wait3A_116, %dma_wait3A_130, %dma_wait3A_131] : memref<3x32x1024xf32, #tpu.memory_space<vmem>> -> memref<1x32x1024xf32, #tpu.memory_space<vmem>>
    %dma_wait3A_133 = tpu.memref_squeeze %dma_wait3A_132 : memref<1x32x1024xf32, #tpu.memory_space<vmem>> -> memref<32x1024xf32, #tpu.memory_space<vmem>>
    tpu.wait_dma2 semaphore(%dma_wait3A_126 : memref<!tpu.dma_semaphore, #tpu.memory_space<semaphore_mem>>) src(%dma_wait3A_133 : memref<32x1024xf32, #tpu.memory_space<vmem>>) dst(%dma_wait3A_129 : memref<32x1024xf32, #tpu.memory_space<hbm>>)
    %dma_start3A_134 = arith.constant 3 : i32
    %dma_start3A_135 = arith.constant 0 : i32
    %dma_start3A_136 = arith.constant 0 : i32
    %dma_start3A_137 = arith.constant 0 : i32
    %dma_start3A_138 = arith.constant 0 : i32
    %dma_start3A_139 = tpu.memref_slice %arg7[%dma_start3A_135, %dma_start3A_137, %dma_start3A_138] : memref<3x32x1024xf32, #tpu.memory_space<vmem>> -> memref<1x32x1024xf32, #tpu.memory_space<vmem>>
    %dma_start3A_140 = tpu.memref_squeeze %dma_start3A_139 : memref<1x32x1024xf32, #tpu.memory_space<vmem>> -> memref<32x1024xf32, #tpu.memory_space<vmem>>
    %dma_start3A_141 = arith.constant 0 : i32
    %dma_start3A_142 = tpu.memref_slice %arg8[%dma_start3A_134, %dma_start3A_141] : memref<9x32xi32, #tpu.memory_space<vmem>> -> memref<1x32xi32, #tpu.memory_space<vmem>>
    %dma_start3A_143 = tpu.memref_squeeze %dma_start3A_142 : memref<1x32xi32, #tpu.memory_space<vmem>> -> memref<32xi32, #tpu.memory_space<vmem>>
    %dma_start3A_144 = arith.constant 0 : i32
    %dma_start3A_145 = arith.constant 0 : i32
    %dma_start3A_146 = tpu.memref_slice %arg2[%dma_start3A_144, %dma_start3A_145] : memref<8192x1024xf32, #tpu.memory_space<hbm>> -> memref<8192x1024xf32, #tpu.memory_space<hbm>>
    %dma_start3A_147 = tpu.memref_slice %arg11[%dma_start3A_136] : memref<3x!tpu.dma_semaphore, #tpu.memory_space<semaphore_mem>> -> memref<1x!tpu.dma_semaphore, #tpu.memory_space<semaphore_mem>>
    %dma_start3A_148 = tpu.memref_squeeze %dma_start3A_147 : memref<1x!tpu.dma_semaphore, #tpu.memory_space<semaphore_mem>> -> memref<!tpu.dma_semaphore, #tpu.memory_space<semaphore_mem>>
    tpu.enqueue_indirect_dma source(%dma_start3A_146 : memref<8192x1024xf32, #tpu.memory_space<hbm>>) target(%dma_start3A_140 : memref<32x1024xf32, #tpu.memory_space<vmem>>) offsets(%dma_start3A_143 : memref<32xi32, #tpu.memory_space<vmem>>) semaphore(%dma_start3A_148 : memref<!tpu.dma_semaphore, #tpu.memory_space<semaphore_mem>>)
    %dma_wait3A_149 = arith.constant 1 : i32
    %dma_wait3A_150 = arith.constant 1 : i32
    %dma_wait3A_151 = arith.constant 1 : i32
    %dma_wait3A_152 = arith.constant 0 : i32
    %dma_wait3A_153 = arith.constant 0 : i32
    %dma_wait3A_154 = tpu.memref_slice %arg7[%dma_wait3A_150, %dma_wait3A_152, %dma_wait3A_153] : memref<3x32x1024xf32, #tpu.memory_space<vmem>> -> memref<1x32x1024xf32, #tpu.memory_space<vmem>>
    %dma_wait3A_155 = tpu.memref_squeeze %dma_wait3A_154 : memref<1x32x1024xf32, #tpu.memory_space<vmem>> -> memref<32x1024xf32, #tpu.memory_space<vmem>>
    %dma_wait3A_156 = arith.constant 0 : i32
    %dma_wait3A_157 = tpu.memref_slice %arg8[%dma_wait3A_149, %dma_wait3A_156] : memref<9x32xi32, #tpu.memory_space<vmem>> -> memref<1x32xi32, #tpu.memory_space<vmem>>
    %dma_wait3A_158 = tpu.memref_squeeze %dma_wait3A_157 : memref<1x32xi32, #tpu.memory_space<vmem>> -> memref<32xi32, #tpu.memory_space<vmem>>
    %dma_wait3A_159 = arith.constant 0 : i32
    %dma_wait3A_160 = arith.constant 0 : i32
    %dma_wait3A_161 = tpu.memref_slice %arg2[%dma_wait3A_159, %dma_wait3A_160] : memref<8192x1024xf32, #tpu.memory_space<hbm>> -> memref<8192x1024xf32, #tpu.memory_space<hbm>>
    %dma_wait3A_162 = tpu.memref_slice %arg11[%dma_wait3A_151] : memref<3x!tpu.dma_semaphore, #tpu.memory_space<semaphore_mem>> -> memref<1x!tpu.dma_semaphore, #tpu.memory_space<semaphore_mem>>
    %dma_wait3A_163 = tpu.memref_squeeze %dma_wait3A_162 : memref<1x!tpu.dma_semaphore, #tpu.memory_space<semaphore_mem>> -> memref<!tpu.dma_semaphore, #tpu.memory_space<semaphore_mem>>
    tpu.wait_indirect_dma semaphore(%dma_wait3A_163 : memref<!tpu.dma_semaphore, #tpu.memory_space<semaphore_mem>>) src(%dma_wait3A_161 : memref<8192x1024xf32, #tpu.memory_space<hbm>>) dst(%dma_wait3A_155 : memref<32x1024xf32, #tpu.memory_space<vmem>>)
    %add3A_164 = arith.constant 32 : i32
    %add3A_165 = arith.addi %mul3A_32, %add3A_164 : i32
    %dma_start3A_166 = arith.constant 1 : i32
    %dma_start3A_167 = arith.constant 1 : i32
    %dma_start3A_168 = arith.constant 0 : i32
    %dma_start3A_169 = arith.constant 0 : i32
    %dma_start3A_170 = tpu.memref_slice %arg7[%dma_start3A_166, %dma_start3A_168, %dma_start3A_169] : memref<3x32x1024xf32, #tpu.memory_space<vmem>> -> memref<1x32x1024xf32, #tpu.memory_space<vmem>>
    %dma_start3A_171 = tpu.memref_squeeze %dma_start3A_170 : memref<1x32x1024xf32, #tpu.memory_space<vmem>> -> memref<32x1024xf32, #tpu.memory_space<vmem>>
    %dma_start3A_172 = arith.constant 0 : i32
    %dma_start3A_173 = tpu.memref_slice %arg6[%select_n3A, %add3A_165, %dma_start3A_172] : memref<4x2049x1024xf32, #tpu.memory_space<hbm>> -> memref<1x32x1024xf32, #tpu.memory_space<hbm>>
    %dma_start3A_174 = tpu.memref_squeeze %dma_start3A_173 : memref<1x32x1024xf32, #tpu.memory_space<hbm>> -> memref<32x1024xf32, #tpu.memory_space<hbm>>
    %dma_start3A_175 = tpu.memref_slice %arg12[%dma_start3A_167] : memref<3x!tpu.dma_semaphore, #tpu.memory_space<semaphore_mem>> -> memref<1x!tpu.dma_semaphore, #tpu.memory_space<semaphore_mem>>
    %dma_start3A_176 = tpu.memref_squeeze %dma_start3A_175 : memref<1x!tpu.dma_semaphore, #tpu.memory_space<semaphore_mem>> -> memref<!tpu.dma_semaphore, #tpu.memory_space<semaphore_mem>>
    %dma_start3A_177 = arith.constant 0 : i32
    %dma_start3A_178 = tpu.memref_slice %arg6[%select_n3A, %add3A_165, %dma_start3A_177] : memref<4x2049x1024xf32, #tpu.memory_space<hbm>> -> memref<1x32x1024xf32, #tpu.memory_space<hbm>>
    %dma_start3A_179 = tpu.memref_squeeze %dma_start3A_178 : memref<1x32x1024xf32, #tpu.memory_space<hbm>> -> memref<32x1024xf32, #tpu.memory_space<hbm>>
    %dma_start3A_180 = arith.constant 0 : i32
    %dma_start3A_181 = arith.constant 0 : i32
    %dma_start3A_182 = tpu.memref_slice %arg7[%dma_start3A_166, %dma_start3A_180, %dma_start3A_181] : memref<3x32x1024xf32, #tpu.memory_space<vmem>> -> memref<1x32x1024xf32, #tpu.memory_space<vmem>>
    %dma_start3A_183 = tpu.memref_squeeze %dma_start3A_182 : memref<1x32x1024xf32, #tpu.memory_space<vmem>> -> memref<32x1024xf32, #tpu.memory_space<vmem>>
    tpu.enqueue_dma source(%dma_start3A_183 : memref<32x1024xf32, #tpu.memory_space<vmem>>) target(%dma_start3A_179 : memref<32x1024xf32, #tpu.memory_space<hbm>>) target_semaphore(%dma_start3A_176 : memref<!tpu.dma_semaphore, #tpu.memory_space<semaphore_mem>>)
    %add3A_184 = arith.constant 32 : i32
    %add3A_185 = arith.addi %mul3A_32, %add3A_184 : i32
    %dma_wait3A_186 = arith.constant 1 : i32
    %dma_wait3A_187 = arith.constant 1 : i32
    %dma_wait3A_188 = arith.constant 0 : i32
    %dma_wait3A_189 = arith.constant 0 : i32
    %dma_wait3A_190 = tpu.memref_slice %arg7[%dma_wait3A_186, %dma_wait3A_188, %dma_wait3A_189] : memref<3x32x1024xf32, #tpu.memory_space<vmem>> -> memref<1x32x1024xf32, #tpu.memory_space<vmem>>
    %dma_wait3A_191 = tpu.memref_squeeze %dma_wait3A_190 : memref<1x32x1024xf32, #tpu.memory_space<vmem>> -> memref<32x1024xf32, #tpu.memory_space<vmem>>
    %dma_wait3A_192 = arith.constant 0 : i32
    %dma_wait3A_193 = tpu.memref_slice %arg6[%select_n3A, %add3A_185, %dma_wait3A_192] : memref<4x2049x1024xf32, #tpu.memory_space<hbm>> -> memref<1x32x1024xf32, #tpu.memory_space<hbm>>
    %dma_wait3A_194 = tpu.memref_squeeze %dma_wait3A_193 : memref<1x32x1024xf32, #tpu.memory_space<hbm>> -> memref<32x1024xf32, #tpu.memory_space<hbm>>
    %dma_wait3A_195 = tpu.memref_slice %arg12[%dma_wait3A_187] : memref<3x!tpu.dma_semaphore, #tpu.memory_space<semaphore_mem>> -> memref<1x!tpu.dma_semaphore, #tpu.memory_space<semaphore_mem>>
    %dma_wait3A_196 = tpu.memref_squeeze %dma_wait3A_195 : memref<1x!tpu.dma_semaphore, #tpu.memory_space<semaphore_mem>> -> memref<!tpu.dma_semaphore, #tpu.memory_space<semaphore_mem>>
    %dma_wait3A_197 = arith.constant 0 : i32
    %dma_wait3A_198 = tpu.memref_slice %arg6[%select_n3A, %add3A_185, %dma_wait3A_197] : memref<4x2049x1024xf32, #tpu.memory_space<hbm>> -> memref<1x32x1024xf32, #tpu.memory_space<hbm>>
    %dma_wait3A_199 = tpu.memref_squeeze %dma_wait3A_198 : memref<1x32x1024xf32, #tpu.memory_space<hbm>> -> memref<32x1024xf32, #tpu.memory_space<hbm>>
    %dma_wait3A_200 = arith.constant 0 : i32
    %dma_wait3A_201 = arith.constant 0 : i32
    %dma_wait3A_202 = tpu.memref_slice %arg7[%dma_wait3A_186, %dma_wait3A_200, %dma_wait3A_201] : memref<3x32x1024xf32, #tpu.memory_space<vmem>> -> memref<1x32x1024xf32, #tpu.memory_space<vmem>>
    %dma_wait3A_203 = tpu.memref_squeeze %dma_wait3A_202 : memref<1x32x1024xf32, #tpu.memory_space<vmem>> -> memref<32x1024xf32, #tpu.memory_space<vmem>>
    tpu.wait_dma2 semaphore(%dma_wait3A_196 : memref<!tpu.dma_semaphore, #tpu.memory_space<semaphore_mem>>) src(%dma_wait3A_203 : memref<32x1024xf32, #tpu.memory_space<vmem>>) dst(%dma_wait3A_199 : memref<32x1024xf32, #tpu.memory_space<hbm>>)
    %dma_start3A_204 = arith.constant 4 : i32
    %dma_start3A_205 = arith.constant 1 : i32
    %dma_start3A_206 = arith.constant 1 : i32
    %dma_start3A_207 = arith.constant 0 : i32
    %dma_start3A_208 = arith.constant 0 : i32
    %dma_start3A_209 = tpu.memref_slice %arg7[%dma_start3A_205, %dma_start3A_207, %dma_start3A_208] : memref<3x32x1024xf32, #tpu.memory_space<vmem>> -> memref<1x32x1024xf32, #tpu.memory_space<vmem>>
    %dma_start3A_210 = tpu.memref_squeeze %dma_start3A_209 : memref<1x32x1024xf32, #tpu.memory_space<vmem>> -> memref<32x1024xf32, #tpu.memory_space<vmem>>
    %dma_start3A_211 = arith.constant 0 : i32
    %dma_start3A_212 = tpu.memref_slice %arg8[%dma_start3A_204, %dma_start3A_211] : memref<9x32xi32, #tpu.memory_space<vmem>> -> memref<1x32xi32, #tpu.memory_space<vmem>>
    %dma_start3A_213 = tpu.memref_squeeze %dma_start3A_212 : memref<1x32xi32, #tpu.memory_space<vmem>> -> memref<32xi32, #tpu.memory_space<vmem>>
    %dma_start3A_214 = arith.constant 0 : i32
    %dma_start3A_215 = arith.constant 0 : i32
    %dma_start3A_216 = tpu.memref_slice %arg2[%dma_start3A_214, %dma_start3A_215] : memref<8192x1024xf32, #tpu.memory_space<hbm>> -> memref<8192x1024xf32, #tpu.memory_space<hbm>>
    %dma_start3A_217 = tpu.memref_slice %arg11[%dma_start3A_206] : memref<3x!tpu.dma_semaphore, #tpu.memory_space<semaphore_mem>> -> memref<1x!tpu.dma_semaphore, #tpu.memory_space<semaphore_mem>>
    %dma_start3A_218 = tpu.memref_squeeze %dma_start3A_217 : memref<1x!tpu.dma_semaphore, #tpu.memory_space<semaphore_mem>> -> memref<!tpu.dma_semaphore, #tpu.memory_space<semaphore_mem>>
    tpu.enqueue_indirect_dma source(%dma_start3A_216 : memref<8192x1024xf32, #tpu.memory_space<hbm>>) target(%dma_start3A_210 : memref<32x1024xf32, #tpu.memory_space<vmem>>) offsets(%dma_start3A_213 : memref<32xi32, #tpu.memory_space<vmem>>) semaphore(%dma_start3A_218 : memref<!tpu.dma_semaphore, #tpu.memory_space<semaphore_mem>>)
    %dma_wait3A_219 = arith.constant 2 : i32
    %dma_wait3A_220 = arith.constant 2 : i32
    %dma_wait3A_221 = arith.constant 2 : i32
    %dma_wait3A_222 = arith.constant 0 : i32
    %dma_wait3A_223 = arith.constant 0 : i32
    %dma_wait3A_224 = tpu.memref_slice %arg7[%dma_wait3A_220, %dma_wait3A_222, %dma_wait3A_223] : memref<3x32x1024xf32, #tpu.memory_space<vmem>> -> memref<1x32x1024xf32, #tpu.memory_space<vmem>>
    %dma_wait3A_225 = tpu.memref_squeeze %dma_wait3A_224 : memref<1x32x1024xf32, #tpu.memory_space<vmem>> -> memref<32x1024xf32, #tpu.memory_space<vmem>>
    %dma_wait3A_226 = arith.constant 0 : i32
    %dma_wait3A_227 = tpu.memref_slice %arg8[%dma_wait3A_219, %dma_wait3A_226] : memref<9x32xi32, #tpu.memory_space<vmem>> -> memref<1x32xi32, #tpu.memory_space<vmem>>
    %dma_wait3A_228 = tpu.memref_squeeze %dma_wait3A_227 : memref<1x32xi32, #tpu.memory_space<vmem>> -> memref<32xi32, #tpu.memory_space<vmem>>
    %dma_wait3A_229 = arith.constant 0 : i32
    %dma_wait3A_230 = arith.constant 0 : i32
    %dma_wait3A_231 = tpu.memref_slice %arg2[%dma_wait3A_229, %dma_wait3A_230] : memref<8192x1024xf32, #tpu.memory_space<hbm>> -> memref<8192x1024xf32, #tpu.memory_space<hbm>>
    %dma_wait3A_232 = tpu.memref_slice %arg11[%dma_wait3A_221] : memref<3x!tpu.dma_semaphore, #tpu.memory_space<semaphore_mem>> -> memref<1x!tpu.dma_semaphore, #tpu.memory_space<semaphore_mem>>
    %dma_wait3A_233 = tpu.memref_squeeze %dma_wait3A_232 : memref<1x!tpu.dma_semaphore, #tpu.memory_space<semaphore_mem>> -> memref<!tpu.dma_semaphore, #tpu.memory_space<semaphore_mem>>
    tpu.wait_indirect_dma semaphore(%dma_wait3A_233 : memref<!tpu.dma_semaphore, #tpu.memory_space<semaphore_mem>>) src(%dma_wait3A_231 : memref<8192x1024xf32, #tpu.memory_space<hbm>>) dst(%dma_wait3A_225 : memref<32x1024xf32, #tpu.memory_space<vmem>>)
    %add3A_234 = arith.constant 64 : i32
    %add3A_235 = arith.addi %mul3A_32, %add3A_234 : i32
    %dma_start3A_236 = arith.constant 2 : i32
    %dma_start3A_237 = arith.constant 2 : i32
    %dma_start3A_238 = arith.constant 0 : i32
    %dma_start3A_239 = arith.constant 0 : i32
    %dma_start3A_240 = tpu.memref_slice %arg7[%dma_start3A_236, %dma_start3A_238, %dma_start3A_239] : memref<3x32x1024xf32, #tpu.memory_space<vmem>> -> memref<1x32x1024xf32, #tpu.memory_space<vmem>>
    %dma_start3A_241 = tpu.memref_squeeze %dma_start3A_240 : memref<1x32x1024xf32, #tpu.memory_space<vmem>> -> memref<32x1024xf32, #tpu.memory_space<vmem>>
    %dma_start3A_242 = arith.constant 0 : i32
    %dma_start3A_243 = tpu.memref_slice %arg6[%select_n3A, %add3A_235, %dma_start3A_242] : memref<4x2049x1024xf32, #tpu.memory_space<hbm>> -> memref<1x32x1024xf32, #tpu.memory_space<hbm>>
    %dma_start3A_244 = tpu.memref_squeeze %dma_start3A_243 : memref<1x32x1024xf32, #tpu.memory_space<hbm>> -> memref<32x1024xf32, #tpu.memory_space<hbm>>
    %dma_start3A_245 = tpu.memref_slice %arg12[%dma_start3A_237] : memref<3x!tpu.dma_semaphore, #tpu.memory_space<semaphore_mem>> -> memref<1x!tpu.dma_semaphore, #tpu.memory_space<semaphore_mem>>
    %dma_start3A_246 = tpu.memref_squeeze %dma_start3A_245 : memref<1x!tpu.dma_semaphore, #tpu.memory_space<semaphore_mem>> -> memref<!tpu.dma_semaphore, #tpu.memory_space<semaphore_mem>>
    %dma_start3A_247 = arith.constant 0 : i32
    %dma_start3A_248 = tpu.memref_slice %arg6[%select_n3A, %add3A_235, %dma_start3A_247] : memref<4x2049x1024xf32, #tpu.memory_space<hbm>> -> memref<1x32x1024xf32, #tpu.memory_space<hbm>>
    %dma_start3A_249 = tpu.memref_squeeze %dma_start3A_248 : memref<1x32x1024xf32, #tpu.memory_space<hbm>> -> memref<32x1024xf32, #tpu.memory_space<hbm>>
    %dma_start3A_250 = arith.constant 0 : i32
    %dma_start3A_251 = arith.constant 0 : i32
    %dma_start3A_252 = tpu.memref_slice %arg7[%dma_start3A_236, %dma_start3A_250, %dma_start3A_251] : memref<3x32x1024xf32, #tpu.memory_space<vmem>> -> memref<1x32x1024xf32, #tpu.memory_space<vmem>>
    %dma_start3A_253 = tpu.memref_squeeze %dma_start3A_252 : memref<1x32x1024xf32, #tpu.memory_space<vmem>> -> memref<32x1024xf32, #tpu.memory_space<vmem>>
    tpu.enqueue_dma source(%dma_start3A_253 : memref<32x1024xf32, #tpu.memory_space<vmem>>) target(%dma_start3A_249 : memref<32x1024xf32, #tpu.memory_space<hbm>>) target_semaphore(%dma_start3A_246 : memref<!tpu.dma_semaphore, #tpu.memory_space<semaphore_mem>>)
    %add3A_254 = arith.constant 64 : i32
    %add3A_255 = arith.addi %mul3A_32, %add3A_254 : i32
    %dma_wait3A_256 = arith.constant 2 : i32
    %dma_wait3A_257 = arith.constant 2 : i32
    %dma_wait3A_258 = arith.constant 0 : i32
    %dma_wait3A_259 = arith.constant 0 : i32
    %dma_wait3A_260 = tpu.memref_slice %arg7[%dma_wait3A_256, %dma_wait3A_258, %dma_wait3A_259] : memref<3x32x1024xf32, #tpu.memory_space<vmem>> -> memref<1x32x1024xf32, #tpu.memory_space<vmem>>
    %dma_wait3A_261 = tpu.memref_squeeze %dma_wait3A_260 : memref<1x32x1024xf32, #tpu.memory_space<vmem>> -> memref<32x1024xf32, #tpu.memory_space<vmem>>
    %dma_wait3A_262 = arith.constant 0 : i32
    %dma_wait3A_263 = tpu.memref_slice %arg6[%select_n3A, %add3A_255, %dma_wait3A_262] : memref<4x2049x1024xf32, #tpu.memory_space<hbm>> -> memref<1x32x1024xf32, #tpu.memory_space<hbm>>
    %dma_wait3A_264 = tpu.memref_squeeze %dma_wait3A_263 : memref<1x32x1024xf32, #tpu.memory_space<hbm>> -> memref<32x1024xf32, #tpu.memory_space<hbm>>
    %dma_wait3A_265 = tpu.memref_slice %arg12[%dma_wait3A_257] : memref<3x!tpu.dma_semaphore, #tpu.memory_space<semaphore_mem>> -> memref<1x!tpu.dma_semaphore, #tpu.memory_space<semaphore_mem>>
    %dma_wait3A_266 = tpu.memref_squeeze %dma_wait3A_265 : memref<1x!tpu.dma_semaphore, #tpu.memory_space<semaphore_mem>> -> memref<!tpu.dma_semaphore, #tpu.memory_space<semaphore_mem>>
    %dma_wait3A_267 = arith.constant 0 : i32
    %dma_wait3A_268 = tpu.memref_slice %arg6[%select_n3A, %add3A_255, %dma_wait3A_267] : memref<4x2049x1024xf32, #tpu.memory_space<hbm>> -> memref<1x32x1024xf32, #tpu.memory_space<hbm>>
    %dma_wait3A_269 = tpu.memref_squeeze %dma_wait3A_268 : memref<1x32x1024xf32, #tpu.memory_space<hbm>> -> memref<32x1024xf32, #tpu.memory_space<hbm>>
    %dma_wait3A_270 = arith.constant 0 : i32
    %dma_wait3A_271 = arith.constant 0 : i32
    %dma_wait3A_272 = tpu.memref_slice %arg7[%dma_wait3A_256, %dma_wait3A_270, %dma_wait3A_271] : memref<3x32x1024xf32, #tpu.memory_space<vmem>> -> memref<1x32x1024xf32, #tpu.memory_space<vmem>>
    %dma_wait3A_273 = tpu.memref_squeeze %dma_wait3A_272 : memref<1x32x1024xf32, #tpu.memory_space<vmem>> -> memref<32x1024xf32, #tpu.memory_space<vmem>>
    tpu.wait_dma2 semaphore(%dma_wait3A_266 : memref<!tpu.dma_semaphore, #tpu.memory_space<semaphore_mem>>) src(%dma_wait3A_273 : memref<32x1024xf32, #tpu.memory_space<vmem>>) dst(%dma_wait3A_269 : memref<32x1024xf32, #tpu.memory_space<hbm>>)
    %dma_start3A_274 = arith.constant 5 : i32
    %dma_start3A_275 = arith.constant 2 : i32
    %dma_start3A_276 = arith.constant 2 : i32
    %dma_start3A_277 = arith.constant 0 : i32
    %dma_start3A_278 = arith.constant 0 : i32
    %dma_start3A_279 = tpu.memref_slice %arg7[%dma_start3A_275, %dma_start3A_277, %dma_start3A_278] : memref<3x32x1024xf32, #tpu.memory_space<vmem>> -> memref<1x32x1024xf32, #tpu.memory_space<vmem>>
    %dma_start3A_280 = tpu.memref_squeeze %dma_start3A_279 : memref<1x32x1024xf32, #tpu.memory_space<vmem>> -> memref<32x1024xf32, #tpu.memory_space<vmem>>
    %dma_start3A_281 = arith.constant 0 : i32
    %dma_start3A_282 = tpu.memref_slice %arg8[%dma_start3A_274, %dma_start3A_281] : memref<9x32xi32, #tpu.memory_space<vmem>> -> memref<1x32xi32, #tpu.memory_space<vmem>>
    %dma_start3A_283 = tpu.memref_squeeze %dma_start3A_282 : memref<1x32xi32, #tpu.memory_space<vmem>> -> memref<32xi32, #tpu.memory_space<vmem>>
    %dma_start3A_284 = arith.constant 0 : i32
    %dma_start3A_285 = arith.constant 0 : i32
    %dma_start3A_286 = tpu.memref_slice %arg2[%dma_start3A_284, %dma_start3A_285] : memref<8192x1024xf32, #tpu.memory_space<hbm>> -> memref<8192x1024xf32, #tpu.memory_space<hbm>>
    %dma_start3A_287 = tpu.memref_slice %arg11[%dma_start3A_276] : memref<3x!tpu.dma_semaphore, #tpu.memory_space<semaphore_mem>> -> memref<1x!tpu.dma_semaphore, #tpu.memory_space<semaphore_mem>>
    %dma_start3A_288 = tpu.memref_squeeze %dma_start3A_287 : memref<1x!tpu.dma_semaphore, #tpu.memory_space<semaphore_mem>> -> memref<!tpu.dma_semaphore, #tpu.memory_space<semaphore_mem>>
    tpu.enqueue_indirect_dma source(%dma_start3A_286 : memref<8192x1024xf32, #tpu.memory_space<hbm>>) target(%dma_start3A_280 : memref<32x1024xf32, #tpu.memory_space<vmem>>) offsets(%dma_start3A_283 : memref<32xi32, #tpu.memory_space<vmem>>) semaphore(%dma_start3A_288 : memref<!tpu.dma_semaphore, #tpu.memory_space<semaphore_mem>>)
    %dma_wait3A_289 = arith.constant 3 : i32
    %dma_wait3A_290 = arith.constant 0 : i32
    %dma_wait3A_291 = arith.constant 0 : i32
    %dma_wait3A_292 = arith.constant 0 : i32
    %dma_wait3A_293 = arith.constant 0 : i32
    %dma_wait3A_294 = tpu.memref_slice %arg7[%dma_wait3A_290, %dma_wait3A_292, %dma_wait3A_293] : memref<3x32x1024xf32, #tpu.memory_space<vmem>> -> memref<1x32x1024xf32, #tpu.memory_space<vmem>>
    %dma_wait3A_295 = tpu.memref_squeeze %dma_wait3A_294 : memref<1x32x1024xf32, #tpu.memory_space<vmem>> -> memref<32x1024xf32, #tpu.memory_space<vmem>>
    %dma_wait3A_296 = arith.constant 0 : i32
    %dma_wait3A_297 = tpu.memref_slice %arg8[%dma_wait3A_289, %dma_wait3A_296] : memref<9x32xi32, #tpu.memory_space<vmem>> -> memref<1x32xi32, #tpu.memory_space<vmem>>
    %dma_wait3A_298 = tpu.memref_squeeze %dma_wait3A_297 : memref<1x32xi32, #tpu.memory_space<vmem>> -> memref<32xi32, #tpu.memory_space<vmem>>
    %dma_wait3A_299 = arith.constant 0 : i32
    %dma_wait3A_300 = arith.constant 0 : i32
    %dma_wait3A_301 = tpu.memref_slice %arg2[%dma_wait3A_299, %dma_wait3A_300] : memref<8192x1024xf32, #tpu.memory_space<hbm>> -> memref<8192x1024xf32, #tpu.memory_space<hbm>>
    %dma_wait3A_302 = tpu.memref_slice %arg11[%dma_wait3A_291] : memref<3x!tpu.dma_semaphore, #tpu.memory_space<semaphore_mem>> -> memref<1x!tpu.dma_semaphore, #tpu.memory_space<semaphore_mem>>
    %dma_wait3A_303 = tpu.memref_squeeze %dma_wait3A_302 : memref<1x!tpu.dma_semaphore, #tpu.memory_space<semaphore_mem>> -> memref<!tpu.dma_semaphore, #tpu.memory_space<semaphore_mem>>
    tpu.wait_indirect_dma semaphore(%dma_wait3A_303 : memref<!tpu.dma_semaphore, #tpu.memory_space<semaphore_mem>>) src(%dma_wait3A_301 : memref<8192x1024xf32, #tpu.memory_space<hbm>>) dst(%dma_wait3A_295 : memref<32x1024xf32, #tpu.memory_space<vmem>>)
    %add3A_304 = arith.constant 96 : i32
    %add3A_305 = arith.addi %mul3A_32, %add3A_304 : i32
    %dma_start3A_306 = arith.constant 0 : i32
    %dma_start3A_307 = arith.constant 0 : i32
    %dma_start3A_308 = arith.constant 0 : i32
    %dma_start3A_309 = arith.constant 0 : i32
    %dma_start3A_310 = tpu.memref_slice %arg7[%dma_start3A_306, %dma_start3A_308, %dma_start3A_309] : memref<3x32x1024xf32, #tpu.memory_space<vmem>> -> memref<1x32x1024xf32, #tpu.memory_space<vmem>>
    %dma_start3A_311 = tpu.memref_squeeze %dma_start3A_310 : memref<1x32x1024xf32, #tpu.memory_space<vmem>> -> memref<32x1024xf32, #tpu.memory_space<vmem>>
    %dma_start3A_312 = arith.constant 0 : i32
    %dma_start3A_313 = tpu.memref_slice %arg6[%select_n3A, %add3A_305, %dma_start3A_312] : memref<4x2049x1024xf32, #tpu.memory_space<hbm>> -> memref<1x32x1024xf32, #tpu.memory_space<hbm>>
    %dma_start3A_314 = tpu.memref_squeeze %dma_start3A_313 : memref<1x32x1024xf32, #tpu.memory_space<hbm>> -> memref<32x1024xf32, #tpu.memory_space<hbm>>
    %dma_start3A_315 = tpu.memref_slice %arg12[%dma_start3A_307] : memref<3x!tpu.dma_semaphore, #tpu.memory_space<semaphore_mem>> -> memref<1x!tpu.dma_semaphore, #tpu.memory_space<semaphore_mem>>
    %dma_start3A_316 = tpu.memref_squeeze %dma_start3A_315 : memref<1x!tpu.dma_semaphore, #tpu.memory_space<semaphore_mem>> -> memref<!tpu.dma_semaphore, #tpu.memory_space<semaphore_mem>>
    %dma_start3A_317 = arith.constant 0 : i32
    %dma_start3A_318 = tpu.memref_slice %arg6[%select_n3A, %add3A_305, %dma_start3A_317] : memref<4x2049x1024xf32, #tpu.memory_space<hbm>> -> memref<1x32x1024xf32, #tpu.memory_space<hbm>>
    %dma_start3A_319 = tpu.memref_squeeze %dma_start3A_318 : memref<1x32x1024xf32, #tpu.memory_space<hbm>> -> memref<32x1024xf32, #tpu.memory_space<hbm>>
    %dma_start3A_320 = arith.constant 0 : i32
    %dma_start3A_321 = arith.constant 0 : i32
    %dma_start3A_322 = tpu.memref_slice %arg7[%dma_start3A_306, %dma_start3A_320, %dma_start3A_321] : memref<3x32x1024xf32, #tpu.memory_space<vmem>> -> memref<1x32x1024xf32, #tpu.memory_space<vmem>>
    %dma_start3A_323 = tpu.memref_squeeze %dma_start3A_322 : memref<1x32x1024xf32, #tpu.memory_space<vmem>> -> memref<32x1024xf32, #tpu.memory_space<vmem>>
    tpu.enqueue_dma source(%dma_start3A_323 : memref<32x1024xf32, #tpu.memory_space<vmem>>) target(%dma_start3A_319 : memref<32x1024xf32, #tpu.memory_space<hbm>>) target_semaphore(%dma_start3A_316 : memref<!tpu.dma_semaphore, #tpu.memory_space<semaphore_mem>>)
    %add3A_324 = arith.constant 96 : i32
    %add3A_325 = arith.addi %mul3A_32, %add3A_324 : i32
    %dma_wait3A_326 = arith.constant 0 : i32
    %dma_wait3A_327 = arith.constant 0 : i32
    %dma_wait3A_328 = arith.constant 0 : i32
    %dma_wait3A_329 = arith.constant 0 : i32
    %dma_wait3A_330 = tpu.memref_slice %arg7[%dma_wait3A_326, %dma_wait3A_328, %dma_wait3A_329] : memref<3x32x1024xf32, #tpu.memory_space<vmem>> -> memref<1x32x1024xf32, #tpu.memory_space<vmem>>
    %dma_wait3A_331 = tpu.memref_squeeze %dma_wait3A_330 : memref<1x32x1024xf32, #tpu.memory_space<vmem>> -> memref<32x1024xf32, #tpu.memory_space<vmem>>
    %dma_wait3A_332 = arith.constant 0 : i32
    %dma_wait3A_333 = tpu.memref_slice %arg6[%select_n3A, %add3A_325, %dma_wait3A_332] : memref<4x2049x1024xf32, #tpu.memory_space<hbm>> -> memref<1x32x1024xf32, #tpu.memory_space<hbm>>
    %dma_wait3A_334 = tpu.memref_squeeze %dma_wait3A_333 : memref<1x32x1024xf32, #tpu.memory_space<hbm>> -> memref<32x1024xf32, #tpu.memory_space<hbm>>
    %dma_wait3A_335 = tpu.memref_slice %arg12[%dma_wait3A_327] : memref<3x!tpu.dma_semaphore, #tpu.memory_space<semaphore_mem>> -> memref<1x!tpu.dma_semaphore, #tpu.memory_space<semaphore_mem>>
    %dma_wait3A_336 = tpu.memref_squeeze %dma_wait3A_335 : memref<1x!tpu.dma_semaphore, #tpu.memory_space<semaphore_mem>> -> memref<!tpu.dma_semaphore, #tpu.memory_space<semaphore_mem>>
    %dma_wait3A_337 = arith.constant 0 : i32
    %dma_wait3A_338 = tpu.memref_slice %arg6[%select_n3A, %add3A_325, %dma_wait3A_337] : memref<4x2049x1024xf32, #tpu.memory_space<hbm>> -> memref<1x32x1024xf32, #tpu.memory_space<hbm>>
    %dma_wait3A_339 = tpu.memref_squeeze %dma_wait3A_338 : memref<1x32x1024xf32, #tpu.memory_space<hbm>> -> memref<32x1024xf32, #tpu.memory_space<hbm>>
    %dma_wait3A_340 = arith.constant 0 : i32
    %dma_wait3A_341 = arith.constant 0 : i32
    %dma_wait3A_342 = tpu.memref_slice %arg7[%dma_wait3A_326, %dma_wait3A_340, %dma_wait3A_341] : memref<3x32x1024xf32, #tpu.memory_space<vmem>> -> memref<1x32x1024xf32, #tpu.memory_space<vmem>>
    %dma_wait3A_343 = tpu.memref_squeeze %dma_wait3A_342 : memref<1x32x1024xf32, #tpu.memory_space<vmem>> -> memref<32x1024xf32, #tpu.memory_space<vmem>>
    tpu.wait_dma2 semaphore(%dma_wait3A_336 : memref<!tpu.dma_semaphore, #tpu.memory_space<semaphore_mem>>) src(%dma_wait3A_343 : memref<32x1024xf32, #tpu.memory_space<vmem>>) dst(%dma_wait3A_339 : memref<32x1024xf32, #tpu.memory_space<hbm>>)
    %dma_start3A_344 = arith.constant 6 : i32
    %dma_start3A_345 = arith.constant 0 : i32
    %dma_start3A_346 = arith.constant 0 : i32
    %dma_start3A_347 = arith.constant 0 : i32
    %dma_start3A_348 = arith.constant 0 : i32
    %dma_start3A_349 = tpu.memref_slice %arg7[%dma_start3A_345, %dma_start3A_347, %dma_start3A_348] : memref<3x32x1024xf32, #tpu.memory_space<vmem>> -> memref<1x32x1024xf32, #tpu.memory_space<vmem>>
    %dma_start3A_350 = tpu.memref_squeeze %dma_start3A_349 : memref<1x32x1024xf32, #tpu.memory_space<vmem>> -> memref<32x1024xf32, #tpu.memory_space<vmem>>
    %dma_start3A_351 = arith.constant 0 : i32
    %dma_start3A_352 = tpu.memref_slice %arg8[%dma_start3A_344, %dma_start3A_351] : memref<9x32xi32, #tpu.memory_space<vmem>> -> memref<1x32xi32, #tpu.memory_space<vmem>>
    %dma_start3A_353 = tpu.memref_squeeze %dma_start3A_352 : memref<1x32xi32, #tpu.memory_space<vmem>> -> memref<32xi32, #tpu.memory_space<vmem>>
    %dma_start3A_354 = arith.constant 0 : i32
    %dma_start3A_355 = arith.constant 0 : i32
    %dma_start3A_356 = tpu.memref_slice %arg2[%dma_start3A_354, %dma_start3A_355] : memref<8192x1024xf32, #tpu.memory_space<hbm>> -> memref<8192x1024xf32, #tpu.memory_space<hbm>>
    %dma_start3A_357 = tpu.memref_slice %arg11[%dma_start3A_346] : memref<3x!tpu.dma_semaphore, #tpu.memory_space<semaphore_mem>> -> memref<1x!tpu.dma_semaphore, #tpu.memory_space<semaphore_mem>>
    %dma_start3A_358 = tpu.memref_squeeze %dma_start3A_357 : memref<1x!tpu.dma_semaphore, #tpu.memory_space<semaphore_mem>> -> memref<!tpu.dma_semaphore, #tpu.memory_space<semaphore_mem>>
    tpu.enqueue_indirect_dma source(%dma_start3A_356 : memref<8192x1024xf32, #tpu.memory_space<hbm>>) target(%dma_start3A_350 : memref<32x1024xf32, #tpu.memory_space<vmem>>) offsets(%dma_start3A_353 : memref<32xi32, #tpu.memory_space<vmem>>) semaphore(%dma_start3A_358 : memref<!tpu.dma_semaphore, #tpu.memory_space<semaphore_mem>>)
    %dma_wait3A_359 = arith.constant 4 : i32
    %dma_wait3A_360 = arith.constant 1 : i32
    %dma_wait3A_361 = arith.constant 1 : i32
    %dma_wait3A_362 = arith.constant 0 : i32
    %dma_wait3A_363 = arith.constant 0 : i32
    %dma_wait3A_364 = tpu.memref_slice %arg7[%dma_wait3A_360, %dma_wait3A_362, %dma_wait3A_363] : memref<3x32x1024xf32, #tpu.memory_space<vmem>> -> memref<1x32x1024xf32, #tpu.memory_space<vmem>>
    %dma_wait3A_365 = tpu.memref_squeeze %dma_wait3A_364 : memref<1x32x1024xf32, #tpu.memory_space<vmem>> -> memref<32x1024xf32, #tpu.memory_space<vmem>>
    %dma_wait3A_366 = arith.constant 0 : i32
    %dma_wait3A_367 = tpu.memref_slice %arg8[%dma_wait3A_359, %dma_wait3A_366] : memref<9x32xi32, #tpu.memory_space<vmem>> -> memref<1x32xi32, #tpu.memory_space<vmem>>
    %dma_wait3A_368 = tpu.memref_squeeze %dma_wait3A_367 : memref<1x32xi32, #tpu.memory_space<vmem>> -> memref<32xi32, #tpu.memory_space<vmem>>
    %dma_wait3A_369 = arith.constant 0 : i32
    %dma_wait3A_370 = arith.constant 0 : i32
    %dma_wait3A_371 = tpu.memref_slice %arg2[%dma_wait3A_369, %dma_wait3A_370] : memref<8192x1024xf32, #tpu.memory_space<hbm>> -> memref<8192x1024xf32, #tpu.memory_space<hbm>>
    %dma_wait3A_372 = tpu.memref_slice %arg11[%dma_wait3A_361] : memref<3x!tpu.dma_semaphore, #tpu.memory_space<semaphore_mem>> -> memref<1x!tpu.dma_semaphore, #tpu.memory_space<semaphore_mem>>
    %dma_wait3A_373 = tpu.memref_squeeze %dma_wait3A_372 : memref<1x!tpu.dma_semaphore, #tpu.memory_space<semaphore_mem>> -> memref<!tpu.dma_semaphore, #tpu.memory_space<semaphore_mem>>
    tpu.wait_indirect_dma semaphore(%dma_wait3A_373 : memref<!tpu.dma_semaphore, #tpu.memory_space<semaphore_mem>>) src(%dma_wait3A_371 : memref<8192x1024xf32, #tpu.memory_space<hbm>>) dst(%dma_wait3A_365 : memref<32x1024xf32, #tpu.memory_space<vmem>>)
    %add3A_374 = arith.constant 128 : i32
    %add3A_375 = arith.addi %mul3A_32, %add3A_374 : i32
    %dma_start3A_376 = arith.constant 1 : i32
    %dma_start3A_377 = arith.constant 1 : i32
    %dma_start3A_378 = arith.constant 0 : i32
    %dma_start3A_379 = arith.constant 0 : i32
    %dma_start3A_380 = tpu.memref_slice %arg7[%dma_start3A_376, %dma_start3A_378, %dma_start3A_379] : memref<3x32x1024xf32, #tpu.memory_space<vmem>> -> memref<1x32x1024xf32, #tpu.memory_space<vmem>>
    %dma_start3A_381 = tpu.memref_squeeze %dma_start3A_380 : memref<1x32x1024xf32, #tpu.memory_space<vmem>> -> memref<32x1024xf32, #tpu.memory_space<vmem>>
    %dma_start3A_382 = arith.constant 0 : i32
    %dma_start3A_383 = tpu.memref_slice %arg6[%select_n3A, %add3A_375, %dma_start3A_382] : memref<4x2049x1024xf32, #tpu.memory_space<hbm>> -> memref<1x32x1024xf32, #tpu.memory_space<hbm>>
    %dma_start3A_384 = tpu.memref_squeeze %dma_start3A_383 : memref<1x32x1024xf32, #tpu.memory_space<hbm>> -> memref<32x1024xf32, #tpu.memory_space<hbm>>
    %dma_start3A_385 = tpu.memref_slice %arg12[%dma_start3A_377] : memref<3x!tpu.dma_semaphore, #tpu.memory_space<semaphore_mem>> -> memref<1x!tpu.dma_semaphore, #tpu.memory_space<semaphore_mem>>
    %dma_start3A_386 = tpu.memref_squeeze %dma_start3A_385 : memref<1x!tpu.dma_semaphore, #tpu.memory_space<semaphore_mem>> -> memref<!tpu.dma_semaphore, #tpu.memory_space<semaphore_mem>>
    %dma_start3A_387 = arith.constant 0 : i32
    %dma_start3A_388 = tpu.memref_slice %arg6[%select_n3A, %add3A_375, %dma_start3A_387] : memref<4x2049x1024xf32, #tpu.memory_space<hbm>> -> memref<1x32x1024xf32, #tpu.memory_space<hbm>>
    %dma_start3A_389 = tpu.memref_squeeze %dma_start3A_388 : memref<1x32x1024xf32, #tpu.memory_space<hbm>> -> memref<32x1024xf32, #tpu.memory_space<hbm>>
    %dma_start3A_390 = arith.constant 0 : i32
    %dma_start3A_391 = arith.constant 0 : i32
    %dma_start3A_392 = tpu.memref_slice %arg7[%dma_start3A_376, %dma_start3A_390, %dma_start3A_391] : memref<3x32x1024xf32, #tpu.memory_space<vmem>> -> memref<1x32x1024xf32, #tpu.memory_space<vmem>>
    %dma_start3A_393 = tpu.memref_squeeze %dma_start3A_392 : memref<1x32x1024xf32, #tpu.memory_space<vmem>> -> memref<32x1024xf32, #tpu.memory_space<vmem>>
    tpu.enqueue_dma source(%dma_start3A_393 : memref<32x1024xf32, #tpu.memory_space<vmem>>) target(%dma_start3A_389 : memref<32x1024xf32, #tpu.memory_space<hbm>>) target_semaphore(%dma_start3A_386 : memref<!tpu.dma_semaphore, #tpu.memory_space<semaphore_mem>>)
    %add3A_394 = arith.constant 128 : i32
    %add3A_395 = arith.addi %mul3A_32, %add3A_394 : i32
    %dma_wait3A_396 = arith.constant 1 : i32
    %dma_wait3A_397 = arith.constant 1 : i32
    %dma_wait3A_398 = arith.constant 0 : i32
    %dma_wait3A_399 = arith.constant 0 : i32
    %dma_wait3A_400 = tpu.memref_slice %arg7[%dma_wait3A_396, %dma_wait3A_398, %dma_wait3A_399] : memref<3x32x1024xf32, #tpu.memory_space<vmem>> -> memref<1x32x1024xf32, #tpu.memory_space<vmem>>
    %dma_wait3A_401 = tpu.memref_squeeze %dma_wait3A_400 : memref<1x32x1024xf32, #tpu.memory_space<vmem>> -> memref<32x1024xf32, #tpu.memory_space<vmem>>
    %dma_wait3A_402 = arith.constant 0 : i32
    %dma_wait3A_403 = tpu.memref_slice %arg6[%select_n3A, %add3A_395, %dma_wait3A_402] : memref<4x2049x1024xf32, #tpu.memory_space<hbm>> -> memref<1x32x1024xf32, #tpu.memory_space<hbm>>
    %dma_wait3A_404 = tpu.memref_squeeze %dma_wait3A_403 : memref<1x32x1024xf32, #tpu.memory_space<hbm>> -> memref<32x1024xf32, #tpu.memory_space<hbm>>
    %dma_wait3A_405 = tpu.memref_slice %arg12[%dma_wait3A_397] : memref<3x!tpu.dma_semaphore, #tpu.memory_space<semaphore_mem>> -> memref<1x!tpu.dma_semaphore, #tpu.memory_space<semaphore_mem>>
    %dma_wait3A_406 = tpu.memref_squeeze %dma_wait3A_405 : memref<1x!tpu.dma_semaphore, #tpu.memory_space<semaphore_mem>> -> memref<!tpu.dma_semaphore, #tpu.memory_space<semaphore_mem>>
    %dma_wait3A_407 = arith.constant 0 : i32
    %dma_wait3A_408 = tpu.memref_slice %arg6[%select_n3A, %add3A_395, %dma_wait3A_407] : memref<4x2049x1024xf32, #tpu.memory_space<hbm>> -> memref<1x32x1024xf32, #tpu.memory_space<hbm>>
    %dma_wait3A_409 = tpu.memref_squeeze %dma_wait3A_408 : memref<1x32x1024xf32, #tpu.memory_space<hbm>> -> memref<32x1024xf32, #tpu.memory_space<hbm>>
    %dma_wait3A_410 = arith.constant 0 : i32
    %dma_wait3A_411 = arith.constant 0 : i32
    %dma_wait3A_412 = tpu.memref_slice %arg7[%dma_wait3A_396, %dma_wait3A_410, %dma_wait3A_411] : memref<3x32x1024xf32, #tpu.memory_space<vmem>> -> memref<1x32x1024xf32, #tpu.memory_space<vmem>>
    %dma_wait3A_413 = tpu.memref_squeeze %dma_wait3A_412 : memref<1x32x1024xf32, #tpu.memory_space<vmem>> -> memref<32x1024xf32, #tpu.memory_space<vmem>>
    tpu.wait_dma2 semaphore(%dma_wait3A_406 : memref<!tpu.dma_semaphore, #tpu.memory_space<semaphore_mem>>) src(%dma_wait3A_413 : memref<32x1024xf32, #tpu.memory_space<vmem>>) dst(%dma_wait3A_409 : memref<32x1024xf32, #tpu.memory_space<hbm>>)
    %dma_start3A_414 = arith.constant 7 : i32
    %dma_start3A_415 = arith.constant 1 : i32
    %dma_start3A_416 = arith.constant 1 : i32
    %dma_start3A_417 = arith.constant 0 : i32
    %dma_start3A_418 = arith.constant 0 : i32
    %dma_start3A_419 = tpu.memref_slice %arg7[%dma_start3A_415, %dma_start3A_417, %dma_start3A_418] : memref<3x32x1024xf32, #tpu.memory_space<vmem>> -> memref<1x32x1024xf32, #tpu.memory_space<vmem>>
    %dma_start3A_420 = tpu.memref_squeeze %dma_start3A_419 : memref<1x32x1024xf32, #tpu.memory_space<vmem>> -> memref<32x1024xf32, #tpu.memory_space<vmem>>
    %dma_start3A_421 = arith.constant 0 : i32
    %dma_start3A_422 = tpu.memref_slice %arg8[%dma_start3A_414, %dma_start3A_421] : memref<9x32xi32, #tpu.memory_space<vmem>> -> memref<1x32xi32, #tpu.memory_space<vmem>>
    %dma_start3A_423 = tpu.memref_squeeze %dma_start3A_422 : memref<1x32xi32, #tpu.memory_space<vmem>> -> memref<32xi32, #tpu.memory_space<vmem>>
    %dma_start3A_424 = arith.constant 0 : i32
    %dma_start3A_425 = arith.constant 0 : i32
    %dma_start3A_426 = tpu.memref_slice %arg2[%dma_start3A_424, %dma_start3A_425] : memref<8192x1024xf32, #tpu.memory_space<hbm>> -> memref<8192x1024xf32, #tpu.memory_space<hbm>>
    %dma_start3A_427 = tpu.memref_slice %arg11[%dma_start3A_416] : memref<3x!tpu.dma_semaphore, #tpu.memory_space<semaphore_mem>> -> memref<1x!tpu.dma_semaphore, #tpu.memory_space<semaphore_mem>>
    %dma_start3A_428 = tpu.memref_squeeze %dma_start3A_427 : memref<1x!tpu.dma_semaphore, #tpu.memory_space<semaphore_mem>> -> memref<!tpu.dma_semaphore, #tpu.memory_space<semaphore_mem>>
    tpu.enqueue_indirect_dma source(%dma_start3A_426 : memref<8192x1024xf32, #tpu.memory_space<hbm>>) target(%dma_start3A_420 : memref<32x1024xf32, #tpu.memory_space<vmem>>) offsets(%dma_start3A_423 : memref<32xi32, #tpu.memory_space<vmem>>) semaphore(%dma_start3A_428 : memref<!tpu.dma_semaphore, #tpu.memory_space<semaphore_mem>>)
    %dma_wait3A_429 = arith.constant 5 : i32
    %dma_wait3A_430 = arith.constant 2 : i32
    %dma_wait3A_431 = arith.constant 2 : i32
    %dma_wait3A_432 = arith.constant 0 : i32
    %dma_wait3A_433 = arith.constant 0 : i32
    %dma_wait3A_434 = tpu.memref_slice %arg7[%dma_wait3A_430, %dma_wait3A_432, %dma_wait3A_433] : memref<3x32x1024xf32, #tpu.memory_space<vmem>> -> memref<1x32x1024xf32, #tpu.memory_space<vmem>>
    %dma_wait3A_435 = tpu.memref_squeeze %dma_wait3A_434 : memref<1x32x1024xf32, #tpu.memory_space<vmem>> -> memref<32x1024xf32, #tpu.memory_space<vmem>>
    %dma_wait3A_436 = arith.constant 0 : i32
    %dma_wait3A_437 = tpu.memref_slice %arg8[%dma_wait3A_429, %dma_wait3A_436] : memref<9x32xi32, #tpu.memory_space<vmem>> -> memref<1x32xi32, #tpu.memory_space<vmem>>
    %dma_wait3A_438 = tpu.memref_squeeze %dma_wait3A_437 : memref<1x32xi32, #tpu.memory_space<vmem>> -> memref<32xi32, #tpu.memory_space<vmem>>
    %dma_wait3A_439 = arith.constant 0 : i32
    %dma_wait3A_440 = arith.constant 0 : i32
    %dma_wait3A_441 = tpu.memref_slice %arg2[%dma_wait3A_439, %dma_wait3A_440] : memref<8192x1024xf32, #tpu.memory_space<hbm>> -> memref<8192x1024xf32, #tpu.memory_space<hbm>>
    %dma_wait3A_442 = tpu.memref_slice %arg11[%dma_wait3A_431] : memref<3x!tpu.dma_semaphore, #tpu.memory_space<semaphore_mem>> -> memref<1x!tpu.dma_semaphore, #tpu.memory_space<semaphore_mem>>
    %dma_wait3A_443 = tpu.memref_squeeze %dma_wait3A_442 : memref<1x!tpu.dma_semaphore, #tpu.memory_space<semaphore_mem>> -> memref<!tpu.dma_semaphore, #tpu.memory_space<semaphore_mem>>
    tpu.wait_indirect_dma semaphore(%dma_wait3A_443 : memref<!tpu.dma_semaphore, #tpu.memory_space<semaphore_mem>>) src(%dma_wait3A_441 : memref<8192x1024xf32, #tpu.memory_space<hbm>>) dst(%dma_wait3A_435 : memref<32x1024xf32, #tpu.memory_space<vmem>>)
    %add3A_444 = arith.constant 160 : i32
    %add3A_445 = arith.addi %mul3A_32, %add3A_444 : i32
    %dma_start3A_446 = arith.constant 2 : i32
    %dma_start3A_447 = arith.constant 2 : i32
    %dma_start3A_448 = arith.constant 0 : i32
    %dma_start3A_449 = arith.constant 0 : i32
    %dma_start3A_450 = tpu.memref_slice %arg7[%dma_start3A_446, %dma_start3A_448, %dma_start3A_449] : memref<3x32x1024xf32, #tpu.memory_space<vmem>> -> memref<1x32x1024xf32, #tpu.memory_space<vmem>>
    %dma_start3A_451 = tpu.memref_squeeze %dma_start3A_450 : memref<1x32x1024xf32, #tpu.memory_space<vmem>> -> memref<32x1024xf32, #tpu.memory_space<vmem>>
    %dma_start3A_452 = arith.constant 0 : i32
    %dma_start3A_453 = tpu.memref_slice %arg6[%select_n3A, %add3A_445, %dma_start3A_452] : memref<4x2049x1024xf32, #tpu.memory_space<hbm>> -> memref<1x32x1024xf32, #tpu.memory_space<hbm>>
    %dma_start3A_454 = tpu.memref_squeeze %dma_start3A_453 : memref<1x32x1024xf32, #tpu.memory_space<hbm>> -> memref<32x1024xf32, #tpu.memory_space<hbm>>
    %dma_start3A_455 = tpu.memref_slice %arg12[%dma_start3A_447] : memref<3x!tpu.dma_semaphore, #tpu.memory_space<semaphore_mem>> -> memref<1x!tpu.dma_semaphore, #tpu.memory_space<semaphore_mem>>
    %dma_start3A_456 = tpu.memref_squeeze %dma_start3A_455 : memref<1x!tpu.dma_semaphore, #tpu.memory_space<semaphore_mem>> -> memref<!tpu.dma_semaphore, #tpu.memory_space<semaphore_mem>>
    %dma_start3A_457 = arith.constant 0 : i32
    %dma_start3A_458 = tpu.memref_slice %arg6[%select_n3A, %add3A_445, %dma_start3A_457] : memref<4x2049x1024xf32, #tpu.memory_space<hbm>> -> memref<1x32x1024xf32, #tpu.memory_space<hbm>>
    %dma_start3A_459 = tpu.memref_squeeze %dma_start3A_458 : memref<1x32x1024xf32, #tpu.memory_space<hbm>> -> memref<32x1024xf32, #tpu.memory_space<hbm>>
    %dma_start3A_460 = arith.constant 0 : i32
    %dma_start3A_461 = arith.constant 0 : i32
    %dma_start3A_462 = tpu.memref_slice %arg7[%dma_start3A_446, %dma_start3A_460, %dma_start3A_461] : memref<3x32x1024xf32, #tpu.memory_space<vmem>> -> memref<1x32x1024xf32, #tpu.memory_space<vmem>>
    %dma_start3A_463 = tpu.memref_squeeze %dma_start3A_462 : memref<1x32x1024xf32, #tpu.memory_space<vmem>> -> memref<32x1024xf32, #tpu.memory_space<vmem>>
    tpu.enqueue_dma source(%dma_start3A_463 : memref<32x1024xf32, #tpu.memory_space<vmem>>) target(%dma_start3A_459 : memref<32x1024xf32, #tpu.memory_space<hbm>>) target_semaphore(%dma_start3A_456 : memref<!tpu.dma_semaphore, #tpu.memory_space<semaphore_mem>>)
    %dma_wait3A_464 = arith.constant 6 : i32
    %dma_wait3A_465 = arith.constant 0 : i32
    %dma_wait3A_466 = arith.constant 0 : i32
    %dma_wait3A_467 = arith.constant 0 : i32
    %dma_wait3A_468 = arith.constant 0 : i32
    %dma_wait3A_469 = tpu.memref_slice %arg7[%dma_wait3A_465, %dma_wait3A_467, %dma_wait3A_468] : memref<3x32x1024xf32, #tpu.memory_space<vmem>> -> memref<1x32x1024xf32, #tpu.memory_space<vmem>>
    %dma_wait3A_470 = tpu.memref_squeeze %dma_wait3A_469 : memref<1x32x1024xf32, #tpu.memory_space<vmem>> -> memref<32x1024xf32, #tpu.memory_space<vmem>>
    %dma_wait3A_471 = arith.constant 0 : i32
    %dma_wait3A_472 = tpu.memref_slice %arg8[%dma_wait3A_464, %dma_wait3A_471] : memref<9x32xi32, #tpu.memory_space<vmem>> -> memref<1x32xi32, #tpu.memory_space<vmem>>
    %dma_wait3A_473 = tpu.memref_squeeze %dma_wait3A_472 : memref<1x32xi32, #tpu.memory_space<vmem>> -> memref<32xi32, #tpu.memory_space<vmem>>
    %dma_wait3A_474 = arith.constant 0 : i32
    %dma_wait3A_475 = arith.constant 0 : i32
    %dma_wait3A_476 = tpu.memref_slice %arg2[%dma_wait3A_474, %dma_wait3A_475] : memref<8192x1024xf32, #tpu.memory_space<hbm>> -> memref<8192x1024xf32, #tpu.memory_space<hbm>>
    %dma_wait3A_477 = tpu.memref_slice %arg11[%dma_wait3A_466] : memref<3x!tpu.dma_semaphore, #tpu.memory_space<semaphore_mem>> -> memref<1x!tpu.dma_semaphore, #tpu.memory_space<semaphore_mem>>
    %dma_wait3A_478 = tpu.memref_squeeze %dma_wait3A_477 : memref<1x!tpu.dma_semaphore, #tpu.memory_space<semaphore_mem>> -> memref<!tpu.dma_semaphore, #tpu.memory_space<semaphore_mem>>
    tpu.wait_indirect_dma semaphore(%dma_wait3A_478 : memref<!tpu.dma_semaphore, #tpu.memory_space<semaphore_mem>>) src(%dma_wait3A_476 : memref<8192x1024xf32, #tpu.memory_space<hbm>>) dst(%dma_wait3A_470 : memref<32x1024xf32, #tpu.memory_space<vmem>>)
    %add3A_479 = arith.constant 192 : i32
    %add3A_480 = arith.addi %mul3A_32, %add3A_479 : i32
    %dma_start3A_481 = arith.constant 0 : i32
    %dma_start3A_482 = arith.constant 0 : i32
    %dma_start3A_483 = arith.constant 0 : i32
    %dma_start3A_484 = arith.constant 0 : i32
    %dma_start3A_485 = tpu.memref_slice %arg7[%dma_start3A_481, %dma_start3A_483, %dma_start3A_484] : memref<3x32x1024xf32, #tpu.memory_space<vmem>> -> memref<1x32x1024xf32, #tpu.memory_space<vmem>>
    %dma_start3A_486 = tpu.memref_squeeze %dma_start3A_485 : memref<1x32x1024xf32, #tpu.memory_space<vmem>> -> memref<32x1024xf32, #tpu.memory_space<vmem>>
    %dma_start3A_487 = arith.constant 0 : i32
    %dma_start3A_488 = tpu.memref_slice %arg6[%select_n3A, %add3A_480, %dma_start3A_487] : memref<4x2049x1024xf32, #tpu.memory_space<hbm>> -> memref<1x32x1024xf32, #tpu.memory_space<hbm>>
    %dma_start3A_489 = tpu.memref_squeeze %dma_start3A_488 : memref<1x32x1024xf32, #tpu.memory_space<hbm>> -> memref<32x1024xf32, #tpu.memory_space<hbm>>
    %dma_start3A_490 = tpu.memref_slice %arg12[%dma_start3A_482] : memref<3x!tpu.dma_semaphore, #tpu.memory_space<semaphore_mem>> -> memref<1x!tpu.dma_semaphore, #tpu.memory_space<semaphore_mem>>
    %dma_start3A_491 = tpu.memref_squeeze %dma_start3A_490 : memref<1x!tpu.dma_semaphore, #tpu.memory_space<semaphore_mem>> -> memref<!tpu.dma_semaphore, #tpu.memory_space<semaphore_mem>>
    %dma_start3A_492 = arith.constant 0 : i32
    %dma_start3A_493 = tpu.memref_slice %arg6[%select_n3A, %add3A_480, %dma_start3A_492] : memref<4x2049x1024xf32, #tpu.memory_space<hbm>> -> memref<1x32x1024xf32, #tpu.memory_space<hbm>>
    %dma_start3A_494 = tpu.memref_squeeze %dma_start3A_493 : memref<1x32x1024xf32, #tpu.memory_space<hbm>> -> memref<32x1024xf32, #tpu.memory_space<hbm>>
    %dma_start3A_495 = arith.constant 0 : i32
    %dma_start3A_496 = arith.constant 0 : i32
    %dma_start3A_497 = tpu.memref_slice %arg7[%dma_start3A_481, %dma_start3A_495, %dma_start3A_496] : memref<3x32x1024xf32, #tpu.memory_space<vmem>> -> memref<1x32x1024xf32, #tpu.memory_space<vmem>>
    %dma_start3A_498 = tpu.memref_squeeze %dma_start3A_497 : memref<1x32x1024xf32, #tpu.memory_space<vmem>> -> memref<32x1024xf32, #tpu.memory_space<vmem>>
    tpu.enqueue_dma source(%dma_start3A_498 : memref<32x1024xf32, #tpu.memory_space<vmem>>) target(%dma_start3A_494 : memref<32x1024xf32, #tpu.memory_space<hbm>>) target_semaphore(%dma_start3A_491 : memref<!tpu.dma_semaphore, #tpu.memory_space<semaphore_mem>>)
    %dma_wait3A_499 = arith.constant 7 : i32
    %dma_wait3A_500 = arith.constant 1 : i32
    %dma_wait3A_501 = arith.constant 1 : i32
    %dma_wait3A_502 = arith.constant 0 : i32
    %dma_wait3A_503 = arith.constant 0 : i32
    %dma_wait3A_504 = tpu.memref_slice %arg7[%dma_wait3A_500, %dma_wait3A_502, %dma_wait3A_503] : memref<3x32x1024xf32, #tpu.memory_space<vmem>> -> memref<1x32x1024xf32, #tpu.memory_space<vmem>>
    %dma_wait3A_505 = tpu.memref_squeeze %dma_wait3A_504 : memref<1x32x1024xf32, #tpu.memory_space<vmem>> -> memref<32x1024xf32, #tpu.memory_space<vmem>>
    %dma_wait3A_506 = arith.constant 0 : i32
    %dma_wait3A_507 = tpu.memref_slice %arg8[%dma_wait3A_499, %dma_wait3A_506] : memref<9x32xi32, #tpu.memory_space<vmem>> -> memref<1x32xi32, #tpu.memory_space<vmem>>
    %dma_wait3A_508 = tpu.memref_squeeze %dma_wait3A_507 : memref<1x32xi32, #tpu.memory_space<vmem>> -> memref<32xi32, #tpu.memory_space<vmem>>
    %dma_wait3A_509 = arith.constant 0 : i32
    %dma_wait3A_510 = arith.constant 0 : i32
    %dma_wait3A_511 = tpu.memref_slice %arg2[%dma_wait3A_509, %dma_wait3A_510] : memref<8192x1024xf32, #tpu.memory_space<hbm>> -> memref<8192x1024xf32, #tpu.memory_space<hbm>>
    %dma_wait3A_512 = tpu.memref_slice %arg11[%dma_wait3A_501] : memref<3x!tpu.dma_semaphore, #tpu.memory_space<semaphore_mem>> -> memref<1x!tpu.dma_semaphore, #tpu.memory_space<semaphore_mem>>
    %dma_wait3A_513 = tpu.memref_squeeze %dma_wait3A_512 : memref<1x!tpu.dma_semaphore, #tpu.memory_space<semaphore_mem>> -> memref<!tpu.dma_semaphore, #tpu.memory_space<semaphore_mem>>
    tpu.wait_indirect_dma semaphore(%dma_wait3A_513 : memref<!tpu.dma_semaphore, #tpu.memory_space<semaphore_mem>>) src(%dma_wait3A_511 : memref<8192x1024xf32, #tpu.memory_space<hbm>>) dst(%dma_wait3A_505 : memref<32x1024xf32, #tpu.memory_space<vmem>>)
    %add3A_514 = arith.constant 224 : i32
    %add3A_515 = arith.addi %mul3A_32, %add3A_514 : i32
    %dma_start3A_516 = arith.constant 1 : i32
    %dma_start3A_517 = arith.constant 1 : i32
    %dma_start3A_518 = arith.constant 0 : i32
    %dma_start3A_519 = arith.constant 0 : i32
    %dma_start3A_520 = tpu.memref_slice %arg7[%dma_start3A_516, %dma_start3A_518, %dma_start3A_519] : memref<3x32x1024xf32, #tpu.memory_space<vmem>> -> memref<1x32x1024xf32, #tpu.memory_space<vmem>>
    %dma_start3A_521 = tpu.memref_squeeze %dma_start3A_520 : memref<1x32x1024xf32, #tpu.memory_space<vmem>> -> memref<32x1024xf32, #tpu.memory_space<vmem>>
    %dma_start3A_522 = arith.constant 0 : i32
    %dma_start3A_523 = tpu.memref_slice %arg6[%select_n3A, %add3A_515, %dma_start3A_522] : memref<4x2049x1024xf32, #tpu.memory_space<hbm>> -> memref<1x32x1024xf32, #tpu.memory_space<hbm>>
    %dma_start3A_524 = tpu.memref_squeeze %dma_start3A_523 : memref<1x32x1024xf32, #tpu.memory_space<hbm>> -> memref<32x1024xf32, #tpu.memory_space<hbm>>
    %dma_start3A_525 = tpu.memref_slice %arg12[%dma_start3A_517] : memref<3x!tpu.dma_semaphore, #tpu.memory_space<semaphore_mem>> -> memref<1x!tpu.dma_semaphore, #tpu.memory_space<semaphore_mem>>
    %dma_start3A_526 = tpu.memref_squeeze %dma_start3A_525 : memref<1x!tpu.dma_semaphore, #tpu.memory_space<semaphore_mem>> -> memref<!tpu.dma_semaphore, #tpu.memory_space<semaphore_mem>>
    %dma_start3A_527 = arith.constant 0 : i32
    %dma_start3A_528 = tpu.memref_slice %arg6[%select_n3A, %add3A_515, %dma_start3A_527] : memref<4x2049x1024xf32, #tpu.memory_space<hbm>> -> memref<1x32x1024xf32, #tpu.memory_space<hbm>>
    %dma_start3A_529 = tpu.memref_squeeze %dma_start3A_528 : memref<1x32x1024xf32, #tpu.memory_space<hbm>> -> memref<32x1024xf32, #tpu.memory_space<hbm>>
    %dma_start3A_530 = arith.constant 0 : i32
    %dma_start3A_531 = arith.constant 0 : i32
    %dma_start3A_532 = tpu.memref_slice %arg7[%dma_start3A_516, %dma_start3A_530, %dma_start3A_531] : memref<3x32x1024xf32, #tpu.memory_space<vmem>> -> memref<1x32x1024xf32, #tpu.memory_space<vmem>>
    %dma_start3A_533 = tpu.memref_squeeze %dma_start3A_532 : memref<1x32x1024xf32, #tpu.memory_space<vmem>> -> memref<32x1024xf32, #tpu.memory_space<vmem>>
    tpu.enqueue_dma source(%dma_start3A_533 : memref<32x1024xf32, #tpu.memory_space<vmem>>) target(%dma_start3A_529 : memref<32x1024xf32, #tpu.memory_space<hbm>>) target_semaphore(%dma_start3A_526 : memref<!tpu.dma_semaphore, #tpu.memory_space<semaphore_mem>>)
    %add3A_534 = arith.constant 192 : i32
    %add3A_535 = arith.addi %mul3A_32, %add3A_534 : i32
    %dma_wait3A_536 = arith.constant 0 : i32
    %dma_wait3A_537 = arith.constant 0 : i32
    %dma_wait3A_538 = arith.constant 0 : i32
    %dma_wait3A_539 = arith.constant 0 : i32
    %dma_wait3A_540 = tpu.memref_slice %arg7[%dma_wait3A_536, %dma_wait3A_538, %dma_wait3A_539] : memref<3x32x1024xf32, #tpu.memory_space<vmem>> -> memref<1x32x1024xf32, #tpu.memory_space<vmem>>
    %dma_wait3A_541 = tpu.memref_squeeze %dma_wait3A_540 : memref<1x32x1024xf32, #tpu.memory_space<vmem>> -> memref<32x1024xf32, #tpu.memory_space<vmem>>
    %dma_wait3A_542 = arith.constant 0 : i32
    %dma_wait3A_543 = tpu.memref_slice %arg6[%select_n3A, %add3A_535, %dma_wait3A_542] : memref<4x2049x1024xf32, #tpu.memory_space<hbm>> -> memref<1x32x1024xf32, #tpu.memory_space<hbm>>
    %dma_wait3A_544 = tpu.memref_squeeze %dma_wait3A_543 : memref<1x32x1024xf32, #tpu.memory_space<hbm>> -> memref<32x1024xf32, #tpu.memory_space<hbm>>
    %dma_wait3A_545 = tpu.memref_slice %arg12[%dma_wait3A_537] : memref<3x!tpu.dma_semaphore, #tpu.memory_space<semaphore_mem>> -> memref<1x!tpu.dma_semaphore, #tpu.memory_space<semaphore_mem>>
    %dma_wait3A_546 = tpu.memref_squeeze %dma_wait3A_545 : memref<1x!tpu.dma_semaphore, #tpu.memory_space<semaphore_mem>> -> memref<!tpu.dma_semaphore, #tpu.memory_space<semaphore_mem>>
    %dma_wait3A_547 = arith.constant 0 : i32
    %dma_wait3A_548 = tpu.memref_slice %arg6[%select_n3A, %add3A_535, %dma_wait3A_547] : memref<4x2049x1024xf32, #tpu.memory_space<hbm>> -> memref<1x32x1024xf32, #tpu.memory_space<hbm>>
    %dma_wait3A_549 = tpu.memref_squeeze %dma_wait3A_548 : memref<1x32x1024xf32, #tpu.memory_space<hbm>> -> memref<32x1024xf32, #tpu.memory_space<hbm>>
    %dma_wait3A_550 = arith.constant 0 : i32
    %dma_wait3A_551 = arith.constant 0 : i32
    %dma_wait3A_552 = tpu.memref_slice %arg7[%dma_wait3A_536, %dma_wait3A_550, %dma_wait3A_551] : memref<3x32x1024xf32, #tpu.memory_space<vmem>> -> memref<1x32x1024xf32, #tpu.memory_space<vmem>>
    %dma_wait3A_553 = tpu.memref_squeeze %dma_wait3A_552 : memref<1x32x1024xf32, #tpu.memory_space<vmem>> -> memref<32x1024xf32, #tpu.memory_space<vmem>>
    tpu.wait_dma2 semaphore(%dma_wait3A_546 : memref<!tpu.dma_semaphore, #tpu.memory_space<semaphore_mem>>) src(%dma_wait3A_553 : memref<32x1024xf32, #tpu.memory_space<vmem>>) dst(%dma_wait3A_549 : memref<32x1024xf32, #tpu.memory_space<hbm>>)
    %add3A_554 = arith.constant 224 : i32
    %add3A_555 = arith.addi %mul3A_32, %add3A_554 : i32
    %dma_wait3A_556 = arith.constant 1 : i32
    %dma_wait3A_557 = arith.constant 1 : i32
    %dma_wait3A_558 = arith.constant 0 : i32
    %dma_wait3A_559 = arith.constant 0 : i32
    %dma_wait3A_560 = tpu.memref_slice %arg7[%dma_wait3A_556, %dma_wait3A_558, %dma_wait3A_559] : memref<3x32x1024xf32, #tpu.memory_space<vmem>> -> memref<1x32x1024xf32, #tpu.memory_space<vmem>>
    %dma_wait3A_561 = tpu.memref_squeeze %dma_wait3A_560 : memref<1x32x1024xf32, #tpu.memory_space<vmem>> -> memref<32x1024xf32, #tpu.memory_space<vmem>>
    %dma_wait3A_562 = arith.constant 0 : i32
    %dma_wait3A_563 = tpu.memref_slice %arg6[%select_n3A, %add3A_555, %dma_wait3A_562] : memref<4x2049x1024xf32, #tpu.memory_space<hbm>> -> memref<1x32x1024xf32, #tpu.memory_space<hbm>>
    %dma_wait3A_564 = tpu.memref_squeeze %dma_wait3A_563 : memref<1x32x1024xf32, #tpu.memory_space<hbm>> -> memref<32x1024xf32, #tpu.memory_space<hbm>>
    %dma_wait3A_565 = tpu.memref_slice %arg12[%dma_wait3A_557] : memref<3x!tpu.dma_semaphore, #tpu.memory_space<semaphore_mem>> -> memref<1x!tpu.dma_semaphore, #tpu.memory_space<semaphore_mem>>
    %dma_wait3A_566 = tpu.memref_squeeze %dma_wait3A_565 : memref<1x!tpu.dma_semaphore, #tpu.memory_space<semaphore_mem>> -> memref<!tpu.dma_semaphore, #tpu.memory_space<semaphore_mem>>
    %dma_wait3A_567 = arith.constant 0 : i32
    %dma_wait3A_568 = tpu.memref_slice %arg6[%select_n3A, %add3A_555, %dma_wait3A_567] : memref<4x2049x1024xf32, #tpu.memory_space<hbm>> -> memref<1x32x1024xf32, #tpu.memory_space<hbm>>
    %dma_wait3A_569 = tpu.memref_squeeze %dma_wait3A_568 : memref<1x32x1024xf32, #tpu.memory_space<hbm>> -> memref<32x1024xf32, #tpu.memory_space<hbm>>
    %dma_wait3A_570 = arith.constant 0 : i32
    %dma_wait3A_571 = arith.constant 0 : i32
    %dma_wait3A_572 = tpu.memref_slice %arg7[%dma_wait3A_556, %dma_wait3A_570, %dma_wait3A_571] : memref<3x32x1024xf32, #tpu.memory_space<vmem>> -> memref<1x32x1024xf32, #tpu.memory_space<vmem>>
    %dma_wait3A_573 = tpu.memref_squeeze %dma_wait3A_572 : memref<1x32x1024xf32, #tpu.memory_space<vmem>> -> memref<32x1024xf32, #tpu.memory_space<vmem>>
    tpu.wait_dma2 semaphore(%dma_wait3A_566 : memref<!tpu.dma_semaphore, #tpu.memory_space<semaphore_mem>>) src(%dma_wait3A_573 : memref<32x1024xf32, #tpu.memory_space<vmem>>) dst(%dma_wait3A_569 : memref<32x1024xf32, #tpu.memory_space<hbm>>)
    %dma_wait3A_574 = arith.constant 0 : i32
    %dma_wait3A_575 = arith.constant 0 : i32
    %dma_wait3A_576 = tpu.memref_slice %arg5[%dma_wait3A_574, %dma_wait3A_575] : memref<24x1024xf32, #tpu.memory_space<hbm>> -> memref<24x1024xf32, #tpu.memory_space<hbm>>
    tpu.wait_indirect_dma semaphore(%arg13 : memref<!tpu.dma_semaphore, #tpu.memory_space<semaphore_mem>>) src(%dma_wait3A_576 : memref<24x1024xf32, #tpu.memory_space<hbm>>) dst(%arg10 : memref<16x1024xf32, #tpu.memory_space<vmem>>)
    %eq3A_577 = arith.constant 0 : i32
    %eq3A_578 = arith.cmpi eq, %select_n3A_30, %eq3A_577 : i32
    %convert_element_type3A = arith.extui %eq3A_578 : i1 to i32
    %cond3A = arith.constant 0 : i32
    %cond3A_579 = arith.cmpi ne, %convert_element_type3A, %cond3A : i32
    scf.if %cond3A_579 {
      "tpu.region"() ({
        %run_scoped3A = tpu.sem_alloc : memref<!tpu.dma_semaphore, #tpu.memory_space<semaphore_mem>>
        %dma_start3A_585 = arith.constant 0 : i32
        %dma_start3A_586 = arith.constant 0 : i32
        %dma_start3A_587 = tpu.memref_slice %arg10[%dma_start3A_585, %dma_start3A_586] : memref<16x1024xf32, #tpu.memory_space<vmem>> -> memref<1x1024xf32, #tpu.memory_space<vmem>>
        %dma_start3A_588 = arith.constant 0 : i32
        %dma_start3A_589 = arith.constant 0 : i32
        %dma_start3A_590 = tpu.memref_slice %arg6[%select_n3A, %dma_start3A_588, %dma_start3A_589] : memref<4x2049x1024xf32, #tpu.memory_space<hbm>> -> memref<1x1x1024xf32, #tpu.memory_space<hbm>>
        %dma_start3A_591 = tpu.memref_squeeze %dma_start3A_590 : memref<1x1x1024xf32, #tpu.memory_space<hbm>> -> memref<1x1024xf32, #tpu.memory_space<hbm>>
        %dma_start3A_592 = arith.constant 0 : i32
        %dma_start3A_593 = arith.constant 0 : i32
        %dma_start3A_594 = tpu.memref_slice %arg6[%select_n3A, %dma_start3A_592, %dma_start3A_593] : memref<4x2049x1024xf32, #tpu.memory_space<hbm>> -> memref<1x1x1024xf32, #tpu.memory_space<hbm>>
        %dma_start3A_595 = tpu.memref_squeeze %dma_start3A_594 : memref<1x1x1024xf32, #tpu.memory_space<hbm>> -> memref<1x1024xf32, #tpu.memory_space<hbm>>
        %dma_start3A_596 = arith.constant 0 : i32
        %dma_start3A_597 = arith.constant 0 : i32
        %dma_start3A_598 = tpu.memref_slice %arg10[%dma_start3A_596, %dma_start3A_597] : memref<16x1024xf32, #tpu.memory_space<vmem>> -> memref<1x1024xf32, #tpu.memory_space<vmem>>
        tpu.enqueue_dma source(%dma_start3A_598 : memref<1x1024xf32, #tpu.memory_space<vmem>>) target(%dma_start3A_595 : memref<1x1024xf32, #tpu.memory_space<hbm>>) target_semaphore(%run_scoped3A : memref<!tpu.dma_semaphore, #tpu.memory_space<semaphore_mem>>)
        %dma_wait3A_599 = arith.constant 0 : i32
        %dma_wait3A_600 = arith.constant 0 : i32
        %dma_wait3A_601 = tpu.memref_slice %arg10[%dma_wait3A_599, %dma_wait3A_600] : memref<16x1024xf32, #tpu.memory_space<vmem>> -> memref<1x1024xf32, #tpu.memory_space<vmem>>
        %dma_wait3A_602 = arith.constant 0 : i32
        %dma_wait3A_603 = arith.constant 0 : i32
        %dma_wait3A_604 = tpu.memref_slice %arg6[%select_n3A, %dma_wait3A_602, %dma_wait3A_603] : memref<4x2049x1024xf32, #tpu.memory_space<hbm>> -> memref<1x1x1024xf32, #tpu.memory_space<hbm>>
        %dma_wait3A_605 = tpu.memref_squeeze %dma_wait3A_604 : memref<1x1x1024xf32, #tpu.memory_space<hbm>> -> memref<1x1024xf32, #tpu.memory_space<hbm>>
        %dma_wait3A_606 = arith.constant 0 : i32
        %dma_wait3A_607 = arith.constant 0 : i32
        %dma_wait3A_608 = tpu.memref_slice %arg6[%select_n3A, %dma_wait3A_606, %dma_wait3A_607] : memref<4x2049x1024xf32, #tpu.memory_space<hbm>> -> memref<1x1x1024xf32, #tpu.memory_space<hbm>>
        %dma_wait3A_609 = tpu.memref_squeeze %dma_wait3A_608 : memref<1x1x1024xf32, #tpu.memory_space<hbm>> -> memref<1x1024xf32, #tpu.memory_space<hbm>>
        %dma_wait3A_610 = arith.constant 0 : i32
        %dma_wait3A_611 = arith.constant 0 : i32
        %dma_wait3A_612 = tpu.memref_slice %arg10[%dma_wait3A_610, %dma_wait3A_611] : memref<16x1024xf32, #tpu.memory_space<vmem>> -> memref<1x1024xf32, #tpu.memory_space<vmem>>
        tpu.wait_dma2 semaphore(%run_scoped3A : memref<!tpu.dma_semaphore, #tpu.memory_space<semaphore_mem>>) src(%dma_wait3A_612 : memref<1x1024xf32, #tpu.memory_space<vmem>>) dst(%dma_wait3A_609 : memref<1x1024xf32, #tpu.memory_space<hbm>>)
        tpu.yield
      }) : () -> ()
    } else {
    }
    %eq3A_580 = arith.constant 7 : i32
    %eq3A_581 = arith.cmpi eq, %select_n3A_30, %eq3A_580 : i32
    %convert_element_type3A_582 = arith.extui %eq3A_581 : i1 to i32
    %cond3A_583 = arith.constant 0 : i32
    %cond3A_584 = arith.cmpi ne, %convert_element_type3A_582, %cond3A_583 : i32
    scf.if %cond3A_584 {
      %dma_start3A_585 = arith.constant 8 : i32
      %dma_start3A_586 = arith.constant 0 : i32
      %dma_start3A_587 = arith.constant 0 : i32
      %dma_start3A_588 = arith.constant 0 : i32
      %dma_start3A_589 = arith.constant 0 : i32
      %dma_start3A_590 = tpu.memref_slice %arg7[%dma_start3A_586, %dma_start3A_588, %dma_start3A_589] : memref<3x32x1024xf32, #tpu.memory_space<vmem>> -> memref<1x32x1024xf32, #tpu.memory_space<vmem>>
      %dma_start3A_591 = tpu.memref_squeeze %dma_start3A_590 : memref<1x32x1024xf32, #tpu.memory_space<vmem>> -> memref<32x1024xf32, #tpu.memory_space<vmem>>
      %dma_start3A_592 = arith.constant 0 : i32
      %dma_start3A_593 = tpu.memref_slice %arg8[%dma_start3A_585, %dma_start3A_592] : memref<9x32xi32, #tpu.memory_space<vmem>> -> memref<1x32xi32, #tpu.memory_space<vmem>>
      %dma_start3A_594 = tpu.memref_squeeze %dma_start3A_593 : memref<1x32xi32, #tpu.memory_space<vmem>> -> memref<32xi32, #tpu.memory_space<vmem>>
      %dma_start3A_595 = arith.constant 0 : i32
      %dma_start3A_596 = arith.constant 0 : i32
      %dma_start3A_597 = tpu.memref_slice %arg2[%dma_start3A_595, %dma_start3A_596] : memref<8192x1024xf32, #tpu.memory_space<hbm>> -> memref<8192x1024xf32, #tpu.memory_space<hbm>>
      %dma_start3A_598 = tpu.memref_slice %arg11[%dma_start3A_587] : memref<3x!tpu.dma_semaphore, #tpu.memory_space<semaphore_mem>> -> memref<1x!tpu.dma_semaphore, #tpu.memory_space<semaphore_mem>>
      %dma_start3A_599 = tpu.memref_squeeze %dma_start3A_598 : memref<1x!tpu.dma_semaphore, #tpu.memory_space<semaphore_mem>> -> memref<!tpu.dma_semaphore, #tpu.memory_space<semaphore_mem>>
      tpu.enqueue_indirect_dma source(%dma_start3A_597 : memref<8192x1024xf32, #tpu.memory_space<hbm>>) target(%dma_start3A_591 : memref<32x1024xf32, #tpu.memory_space<vmem>>) offsets(%dma_start3A_594 : memref<32xi32, #tpu.memory_space<vmem>>) semaphore(%dma_start3A_599 : memref<!tpu.dma_semaphore, #tpu.memory_space<semaphore_mem>>)
      %dma_wait3A_600 = arith.constant 8 : i32
      %dma_wait3A_601 = arith.constant 0 : i32
      %dma_wait3A_602 = arith.constant 0 : i32
      %dma_wait3A_603 = arith.constant 0 : i32
      %dma_wait3A_604 = arith.constant 0 : i32
      %dma_wait3A_605 = tpu.memref_slice %arg7[%dma_wait3A_601, %dma_wait3A_603, %dma_wait3A_604] : memref<3x32x1024xf32, #tpu.memory_space<vmem>> -> memref<1x32x1024xf32, #tpu.memory_space<vmem>>
      %dma_wait3A_606 = tpu.memref_squeeze %dma_wait3A_605 : memref<1x32x1024xf32, #tpu.memory_space<vmem>> -> memref<32x1024xf32, #tpu.memory_space<vmem>>
      %dma_wait3A_607 = arith.constant 0 : i32
      %dma_wait3A_608 = tpu.memref_slice %arg8[%dma_wait3A_600, %dma_wait3A_607] : memref<9x32xi32, #tpu.memory_space<vmem>> -> memref<1x32xi32, #tpu.memory_space<vmem>>
      %dma_wait3A_609 = tpu.memref_squeeze %dma_wait3A_608 : memref<1x32xi32, #tpu.memory_space<vmem>> -> memref<32xi32, #tpu.memory_space<vmem>>
      %dma_wait3A_610 = arith.constant 0 : i32
      %dma_wait3A_611 = arith.constant 0 : i32
      %dma_wait3A_612 = tpu.memref_slice %arg2[%dma_wait3A_610, %dma_wait3A_611] : memref<8192x1024xf32, #tpu.memory_space<hbm>> -> memref<8192x1024xf32, #tpu.memory_space<hbm>>
      %dma_wait3A_613 = tpu.memref_slice %arg11[%dma_wait3A_602] : memref<3x!tpu.dma_semaphore, #tpu.memory_space<semaphore_mem>> -> memref<1x!tpu.dma_semaphore, #tpu.memory_space<semaphore_mem>>
      %dma_wait3A_614 = tpu.memref_squeeze %dma_wait3A_613 : memref<1x!tpu.dma_semaphore, #tpu.memory_space<semaphore_mem>> -> memref<!tpu.dma_semaphore, #tpu.memory_space<semaphore_mem>>
      tpu.wait_indirect_dma semaphore(%dma_wait3A_614 : memref<!tpu.dma_semaphore, #tpu.memory_space<semaphore_mem>>) src(%dma_wait3A_612 : memref<8192x1024xf32, #tpu.memory_space<hbm>>) dst(%dma_wait3A_606 : memref<32x1024xf32, #tpu.memory_space<vmem>>)
      %run_scoped3A = arith.constant 0 : i32
      "tpu.region"() ({
        %run_scoped3A_615 = tpu.sem_alloc : memref<!tpu.dma_semaphore, #tpu.memory_space<semaphore_mem>>
        %dma_start3A_616 = arith.constant 0 : i32
        %dma_start3A_617 = arith.constant 0 : i32
        %dma_start3A_618 = tpu.memref_slice %arg7[%run_scoped3A, %dma_start3A_616, %dma_start3A_617] : memref<3x32x1024xf32, #tpu.memory_space<vmem>> -> memref<1x1x1024xf32, #tpu.memory_space<vmem>>
        %dma_start3A_619 = tpu.memref_squeeze %dma_start3A_618 : memref<1x1x1024xf32, #tpu.memory_space<vmem>> -> memref<1x1024xf32, #tpu.memory_space<vmem>>
        %dma_start3A_620 = arith.constant 2048 : i32
        %dma_start3A_621 = arith.constant 0 : i32
        %dma_start3A_622 = tpu.memref_slice %arg6[%select_n3A, %dma_start3A_620, %dma_start3A_621] : memref<4x2049x1024xf32, #tpu.memory_space<hbm>> -> memref<1x1x1024xf32, #tpu.memory_space<hbm>>
        %dma_start3A_623 = tpu.memref_squeeze %dma_start3A_622 : memref<1x1x1024xf32, #tpu.memory_space<hbm>> -> memref<1x1024xf32, #tpu.memory_space<hbm>>
        %dma_start3A_624 = arith.constant 2048 : i32
        %dma_start3A_625 = arith.constant 0 : i32
        %dma_start3A_626 = tpu.memref_slice %arg6[%select_n3A, %dma_start3A_624, %dma_start3A_625] : memref<4x2049x1024xf32, #tpu.memory_space<hbm>> -> memref<1x1x1024xf32, #tpu.memory_space<hbm>>
        %dma_start3A_627 = tpu.memref_squeeze %dma_start3A_626 : memref<1x1x1024xf32, #tpu.memory_space<hbm>> -> memref<1x1024xf32, #tpu.memory_space<hbm>>
        %dma_start3A_628 = arith.constant 0 : i32
        %dma_start3A_629 = arith.constant 0 : i32
        %dma_start3A_630 = tpu.memref_slice %arg7[%run_scoped3A, %dma_start3A_628, %dma_start3A_629] : memref<3x32x1024xf32, #tpu.memory_space<vmem>> -> memref<1x1x1024xf32, #tpu.memory_space<vmem>>
        %dma_start3A_631 = tpu.memref_squeeze %dma_start3A_630 : memref<1x1x1024xf32, #tpu.memory_space<vmem>> -> memref<1x1024xf32, #tpu.memory_space<vmem>>
        tpu.enqueue_dma source(%dma_start3A_631 : memref<1x1024xf32, #tpu.memory_space<vmem>>) target(%dma_start3A_627 : memref<1x1024xf32, #tpu.memory_space<hbm>>) target_semaphore(%run_scoped3A_615 : memref<!tpu.dma_semaphore, #tpu.memory_space<semaphore_mem>>)
        %dma_wait3A_632 = arith.constant 0 : i32
        %dma_wait3A_633 = arith.constant 0 : i32
        %dma_wait3A_634 = tpu.memref_slice %arg7[%run_scoped3A, %dma_wait3A_632, %dma_wait3A_633] : memref<3x32x1024xf32, #tpu.memory_space<vmem>> -> memref<1x1x1024xf32, #tpu.memory_space<vmem>>
        %dma_wait3A_635 = tpu.memref_squeeze %dma_wait3A_634 : memref<1x1x1024xf32, #tpu.memory_space<vmem>> -> memref<1x1024xf32, #tpu.memory_space<vmem>>
        %dma_wait3A_636 = arith.constant 2048 : i32
        %dma_wait3A_637 = arith.constant 0 : i32
        %dma_wait3A_638 = tpu.memref_slice %arg6[%select_n3A, %dma_wait3A_636, %dma_wait3A_637] : memref<4x2049x1024xf32, #tpu.memory_space<hbm>> -> memref<1x1x1024xf32, #tpu.memory_space<hbm>>
        %dma_wait3A_639 = tpu.memref_squeeze %dma_wait3A_638 : memref<1x1x1024xf32, #tpu.memory_space<hbm>> -> memref<1x1024xf32, #tpu.memory_space<hbm>>
        %dma_wait3A_640 = arith.constant 2048 : i32
        %dma_wait3A_641 = arith.constant 0 : i32
        %dma_wait3A_642 = tpu.memref_slice %arg6[%select_n3A, %dma_wait3A_640, %dma_wait3A_641] : memref<4x2049x1024xf32, #tpu.memory_space<hbm>> -> memref<1x1x1024xf32, #tpu.memory_space<hbm>>
        %dma_wait3A_643 = tpu.memref_squeeze %dma_wait3A_642 : memref<1x1x1024xf32, #tpu.memory_space<hbm>> -> memref<1x1024xf32, #tpu.memory_space<hbm>>
        %dma_wait3A_644 = arith.constant 0 : i32
        %dma_wait3A_645 = arith.constant 0 : i32
        %dma_wait3A_646 = tpu.memref_slice %arg7[%run_scoped3A, %dma_wait3A_644, %dma_wait3A_645] : memref<3x32x1024xf32, #tpu.memory_space<vmem>> -> memref<1x1x1024xf32, #tpu.memory_space<vmem>>
        %dma_wait3A_647 = tpu.memref_squeeze %dma_wait3A_646 : memref<1x1x1024xf32, #tpu.memory_space<vmem>> -> memref<1x1024xf32, #tpu.memory_space<vmem>>
        tpu.wait_dma2 semaphore(%run_scoped3A_615 : memref<!tpu.dma_semaphore, #tpu.memory_space<semaphore_mem>>) src(%dma_wait3A_647 : memref<1x1024xf32, #tpu.memory_space<vmem>>) dst(%dma_wait3A_643 : memref<1x1024xf32, #tpu.memory_space<hbm>>)
        tpu.yield
      }) : () -> ()
    } else {
    }
    return
  }
}

</mosaic_0001>

<sc_bundles>
// kernel: kernel.3.cloned.1.call-start
scs
__scs_entry_jumppad:
0x0: {  	(pc) =	sbr.rel $0x88, $3  }
0x1: {  	(tag) =	ssettag $0x0;
	lr =	simm.s32 $0x1  }
0x2: {  	[smem:$0x3F9E] =	sst lr;
	_ =	strace $0xD0000000  }
0x3: {  	_ = 	snop  }
0x4: {  	_ = 	snop  }
0x5: {  	_ = 	snop  }
0x6: {  	_ = 	snop  }
0x7: {  	_ = 	snop  }
__scs_overlays_trampoline_lowered:
0x8: {  	[smem:$0x3FAD] =	sst s0  }
0x9: {  	[smem:$0x3FAE] =	sst s1  }
0xa: {  	[smem:$0x3FAF] =	sst s2  }
0xb: {  	[smem:$0x3FB0] =	sst s3  }
0xc: {  	[smem:$0x3FB1] =	sst s4  }
0xd: {  	[smem:$0x3FB2] =	sst s5  }
0xe: {  	[smem:$0x3FB3] =	sst s6  }
0xf: {  	[smem:$0x3FB4] =	sst s7  }
0x10: {  	[smem:$0x3FB5] =	sst s8  }
0x11: {  	[smem:$0x3FB6] =	sst s9;
	s0 =	simm.s32 @!p0 $0x0  }
0x12: {  	s1 =	sld [smem:$0x3F9C];
	s0 =	simm.s32 @p0 $0x1  }
0x13: {  	[smem:$0x3FB7] =	sst s0;
	s0 =	simm.s32 @!p1 $0x0  }
0x14: {  	s2 =	sld [smem:$0x3F9B];
	s0 =	simm.s32 @p1 $0x1  }
0x15: {  	[smem:$0x3FB8] =	sst s0;
	s0 =	simm.s32 @!p2 $0x0  }
0x16: {  	s3 =	sld [smem:$0x3FDB];
	s0 =	simm.s32 @p2 $0x1  }
0x17: {  	s4 =	simm.s32 $0x1BF5;
	[smem:$0x3FBA] =	sst s0  }
0x18: {  	s0 =	sld [smem:$0x3F9D];
	_ =	swait.ge [sflag:s4], $0x0  }
0x19: {  	s7 =	sld [smem:$0x3F9E]  }
0x1a: {  	s8 =	sadd.s32 $0xFFFFE003, lr  }
0x1b: {  	s9 =	sadd.s32 $0xFFFFFEF7, lr;
	s5 =	simm.s32 $0xFFFFFFFF;
	p2 =	slt.u32 s8, $0xFFFFF086  }
0x1c: {  	p1 =	slt.u32 s9, $0xF7A;
	s5 =	simm.s32 @!p2 $0x0  }
0x1d: {  	s5 =	simm.s32 @p1 $0x1;
	p0 =	seq.s32 s7, s2  }
0x1e: {  	s7 =	smul.u32 @!p0 $0xF7A, s2;
	p2 =	seq.s32 @!p0 s5, $0x0  }
0x1f: {  	s9 =	smul.u32 $0xF7A, s1;
	s8 =	simm.s32 @!p0 $0x1BF5;
	p2 =	por !p2, p0  }
0x20: {  	[sflag:s8] =	ssyncset.s32 @!p0 $0xFFFFF086;
	s6 =	sadd.s32 @!p0 s3, s7;
	s7 =	simm.s32 @!p0 $0x108  }
0x21: {  	s3 =	sadd.s32 s3, s9;
	s6 =	sadd.s32 @!p0 $0x88, s6;
	s7 =	simm.s32 @p2 $0x1082  }
0x22: {  	[simem:s7], [sflag:s8] =	dma.local @!p0 [hbm:s6], $0xF7A  }
0x23: {  	s9 =	sor.u32 $0xD0000000, s2;
	s6 =	simm.s32 $0x108;
	_ =	swait.ge @!p0 [sflag:s8], $0x0  }
0x24: {  	s3 =	sadd.s32 $0x88, s3;
	s6 =	simm.s32 @!p1 $0x1082;
	[sflag:s4] =	ssyncset.s32 $0xFFFFF086  }
0x25: {  	[simem:s6], [sflag:s4] =	dma.local [hbm:s3], $0xF7A  }
0x26: {  	[smem:$0x3F9E] =	sst s1;
	(tag) =	ssettag s2;
	_ =	strace s9  }
0x27: {  	s1 =	sld [smem:$0x3FAE]  }
0x28: {  	s2 =	sld [smem:$0x3FAF]  }
0x29: {  	s4 =	sld [smem:$0x3FB1]  }
0x2a: {  	p0 =	seq.s32 s5, $0x0;
	s5 =	sld [smem:$0x3FB2]  }
0x2b: {  	s6 =	sld [smem:$0x3FB3]  }
0x2c: {  	s7 =	sld [smem:$0x3FB4]  }
0x2d: {  	s3 =	simm.s32 $0x108;
	s8 =	sld [smem:$0x3FB5]  }
0x2e: {  	s3 =	simm.s32 @!p0 $0x1082;
	s9 =	sld [smem:$0x3FB6]  }
0x2f: {  	lr =	sadd.s32 s0, s3;
	s0 =	sld [smem:$0x3FAD]  }
0x30: {  	s3 =	sld [smem:$0x3FB0]  }
0x31: {  	[smem:$0x3FB9] =	sst s10  }
0x32: {  	s10 =	sld [smem:$0x3FB7];
	_ =	sdelay $0x3  }
0x33: {  	p0 =	seq.s32 s10, $0x1;
	s10 =	sld [smem:$0x3FB9];
	_ =	sdelay $0x3  }
0x34: {  	[smem:$0x3FB9] =	sst s10  }
0x35: {  	s10 =	sld [smem:$0x3FB8];
	_ =	sdelay $0x3  }
0x36: {  	p1 =	seq.s32 s10, $0x1;
	s10 =	sld [smem:$0x3FB9];
	_ =	sdelay $0x3  }
0x37: {  	[smem:$0x3FB9] =	sst s10  }
0x38: {  	s10 =	sld [smem:$0x3FBA]  }
0x39: {  	_ = 	snop;
	(pc) =	sbr.ind lr, $3  }
0x3a: {  	_ = 	snop  }
0x3b: {  	_ = 	snop  }
0x3c: {  	p2 =	seq.s32 s10, $0x1;
	s10 =	sld [smem:$0x3FB9]  }
0x3d: {  	_ =	shalt  }
0x3e: {  	_ =	shalt  }
0x3f: {  	_ =	shalt  }
0x40: {  	_ =	shalt  }
0x41: {  	_ =	shalt  }
0x42: {  	_ =	shalt  }
0x43: {  	_ =	shalt  }
0x44: {  	_ =	shalt  }
0x45: {  	_ =	shalt  }
0x46: {  	_ =	shalt  }
0x47: {  	_ =	shalt  }
0x48: {  	_ =	shalt  }
0x49: {  	_ =	shalt  }
0x4a: {  	_ =	shalt  }
0x4b: {  	_ =	shalt  }
0x4c: {  	_ =	shalt  }
0x4d: {  	_ =	shalt  }
0x4e: {  	_ =	shalt  }
0x4f: {  	_ =	shalt  }
0x50: {  	_ =	shalt  }
0x51: {  	_ =	shalt  }
0x52: {  	_ =	shalt  }
0x53: {  	_ =	shalt  }
0x54: {  	_ =	shalt  }
0x55: {  	_ =	shalt  }
0x56: {  	_ =	shalt  }
0x57: {  	_ =	shalt  }
0x58: {  	_ =	shalt  }
0x59: {  	_ =	shalt  }
0x5a: {  	_ =	shalt  }
0x5b: {  	_ =	shalt  }
0x5c: {  	_ =	shalt  }
0x5d: {  	_ =	shalt  }
0x5e: {  	_ =	shalt  }
0x5f: {  	_ =	shalt  }
0x60: {  	_ =	shalt  }
0x61: {  	_ =	shalt  }
0x62: {  	_ =	shalt  }
0x63: {  	_ =	shalt  }
0x64: {  	_ =	shalt  }
0x65: {  	_ =	shalt  }
0x66: {  	_ =	shalt  }
0x67: {  	_ =	shalt  }
0x68: {  	_ =	shalt  }
0x69: {  	_ =	shalt  }
0x6a: {  	_ =	shalt  }
0x6b: {  	_ =	shalt  }
0x6c: {  	_ =	shalt  }
0x6d: {  	_ =	shalt  }
0x6e: {  	_ =	shalt  }
0x6f: {  	_ =	shalt  }
0x70: {  	_ =	shalt  }
0x71: {  	_ =	shalt  }
0x72: {  	_ =	shalt  }
0x73: {  	_ =	shalt  }
0x74: {  	_ =	shalt  }
0x75: {  	_ =	shalt  }
0x76: {  	_ =	shalt  }
0x77: {  	_ =	shalt  }
0x78: {  	_ =	shalt  }
0x79: {  	_ =	shalt  }
0x7a: {  	_ =	shalt  }
0x7b: {  	_ =	shalt  }
0x7c: {  	_ =	shalt  }
0x7d: {  	_ =	shalt  }
0x7e: {  	_ =	shalt  }
0x7f: {  	_ =	shalt  }
0x80: {  	_ =	shalt  }
0x81: {  	_ =	shalt  }
0x82: {  	_ =	shalt  }
0x83: {  	_ =	shalt  }
0x84: {  	_ =	shalt  }
0x85: {  	_ =	shalt  }
0x86: {  	_ =	shalt  }
0x87: {  	_ =	shalt  }
.Lfunc_end0:
.L_simem_size_0:
called_computation_lowered:
.L_overlay_start_0:
0x88: {  	s2 =	sld [smem:$0x3FD9]  }
0x89: {  	s3 =	sld [smem:$0x3FFE];
	_ =	sdelay $0x1  }
0x8a: {  	s1 =	srdreg.scid  }
0x8b: {  	s0 =	sand.u32 $0x1, s1  }
0x8c: {  	s17 =	sshll.u32 s0, $0xA;
	s2 =	sadd.s32 s3, s2  }
0x8d: {  	s2 =	sadd.s32 s2, s17  }
0x8e: {  	[smem:$0x3FC5] =	sst s2  }
0x8f: {  	_ = 	snop  }
0x90: {  	s2 =	sld [smem:$0x3FC9]  }
0x91: {  	s18 =	sld [smem:$0x3FC7]  }
0x92: {  	s4 =	sld [smem:$0x3FD0];
	(tm) =	ssettm $0x1  }
0x93: {  	s5 =	sld [smem:$0x3FFB];
	_ =	sdelay $0x3  }
0x94: {  	_ =	strace s5  }
0x95: {  	s5 =	sld [smem:$0x3FFC];
	_ =	sdelay $0x3  }
0x96: {  	_ =	strace s5  }
0x97: {  	s5 =	sld [smem:$0x3FFD];
	_ =	sdelay $0x3  }
0x98: {  	_ =	strace s5  }
0x99: {  	_ =	strace $0x8FFFFFFF  }
0x9a: {  	s19 =	sld [smem:$0x3FDB];
	_ =	sdelay $0x1  }
0x9b: {  	s6 =	simm.s32 $_scs_section_size  }
0x9c: {  	s7 =	simm.s32 $_size__tile_overlayer_lowered;
	s8 =	simm.s32 $_tile_overlayer_lowered  }
0x9d: {  	s22 =	simm.s32 $0x1BFF;
	s21 =	sshll.u32 s8, $0x1;
	s5 =	sadd.s32 s6, s19  }
0x9e: {  	s9 =	simm.s32 $0x0;
	s20 =	sshll.u32 s7, $0x1;
	s7 =	sadd.s32 s21, s5  }
0x9f: {  	[timem:s9], [sflag:s22] =	dma.local [hbm:s7], s20  }
0xa0: {  	_ =	swait.ge [sflag:s22], s20  }
0xa1: {  	s6 =	ssub.s32 $0x0, s20;
	[sflag:s22] =	ssyncset.done $0x0  }
0xa2: {  	[sflag:s22] =	ssyncadd.s32 s6;
	_ =	sdelay $0x1  }
0xa3: {  	s23 =	simm.s32 $0x1B8B  }
0xa4: {  	_ =	swait.ge [sflag:s23], $0x1  }
0xa5: {  	[sflag:s23] =	ssyncset.done $0x0  }
0xa6: {  	s25 =	simm.s32 $0x1B8E;
	s24 =	sld [smem:$0x3FFE];
	[sflag:s23] =	ssyncadd.s32 $0xFFFFFFFF  }
0xa7: {  	s26 =	simm.s32 $execute0_lowered;
	[smem:$0x3FD2] =	sst s25  }
0xa8: {  	s7 =	sshll.u32 s26, $0x1;
	_ =	strace $0x80000046;
	[dreg:$0x1] =	wrdreg $0xFFFFFFFF  }
0xa9: {  	s28 =	simm.s32 $_size_execute0_lowered;
	s5 =	sadd.s32 s5, s7;
	[dreg:$0x0] =	wrdreg $0x0  }
0xaa: {  	s7 =	sshll.u32 s28, $0x1;
	[dreg:$0x2] =	wrdreg s5  }
0xab: {  	[dreg:$0x3] =	wrdreg s7  }
0xac: {  	[dreg:$0x4] =	wrdreg $0xC0  }
0xad: {  	_ =	task [dreg:s9], $0x5FFFF  }
0xae: {  	[dreg:$0x1] =	wrdreg $0xFFFFFFFF  }
0xaf: {  	[dreg:$0x0] =	wrdreg $0x60  }
0xb0: {  	[dreg:$0x2] =	wrdreg s2  }
0xb1: {  	[dreg:$0x3] =	wrdreg s4  }
0xb2: {  	[dreg:$0x4] =	wrdreg s24  }
0xb3: {  	[dreg:$0x5] =	wrdreg s18  }
0xb4: {  	[dreg:$0x6] =	wrdreg $0x9  }
0xb5: {  	_ =	task.clear_ibuf [dreg:s9], $0x7FFFF;
	_ =	strace $0x90000046  }
0xb6: {  	s29 =	simm.s32 $0x9;
	_ =	strace $0x80000048  }
0xb7: {  	_ =	swait.ge [sflag:s29], $0x1  }
0xb8: {  	[sflag:s29] =	ssyncadd.s32 $0xFFFFFFFF  }
0xb9: {  	_ =	strace $0x90000048  }
0xba: {  	_ =	sfence  }
0xbb: {  	s30 =	sld [smem:$0x0];
	_ =	sdelay $0x2  }
0xbc: {  	s31 =	sshll.u32 s1, $0xD;
	s1 =	sshrl.u32 s1, $0x2  }
0xbd: {  	s3 =	sand.u32 $0x4000, s31;
	s1 =	sadd.s32 s1, s30  }
0xbe: {  	s0 =	sor.u32 s3, s0;
	s1 =	sshll.u32 s1, $0x11  }
0xbf: {  	s0 =	sor.u32 s1, s0  }
0xc0: {  	s0 =	sadd.s32 $0x8F2B, s0  }
0xc1: {  	[sflag:s0] =	ssyncadd.remote.s32 $0x1  }
0xc2: {  	_ =	sfence.sel $0xFFFF  }
0xc3: {  	[dreg:$0x0] =	wrdreg $0xFFFFFFFF;
	(pc) =	sbr.abs _section_cstart, $3  }
0xc4: {  	[dreg:$0x1] =	wrdreg $0xFFFFFFFF  }
0xc5: {  	_ =	task.clear_ibuf [dreg:s9], $0x2FFFF;
	_ =	strace $0x9FFFFFFF  }
0xc6: {  	(tm) =	ssettm $0x7FFFFFFF  }
0xc7: {  	_ =	shalt  }
tec
execute0_lowered:
.L_overlay_start_1:
0x0: {  	(tag) =	ssettag $0x1  }
0x1: {  	s1 =	rddreg [dreg:$0x0]  }
0x2: {  	s0 =	rddreg [dreg:$0x1]  }
0x3: {  	s2 =	rddreg [dreg:$0x2]  }
0x4: {  	s8 =	rddreg [dreg:$0x3];
	s3 =	simm.s32 $0x0;
	s4 =	srdreg.scid  }
0x5: {  	s7 =	stileid.u32;
	[smem:$0x7FF] =	sst s3;
	s5 =	sadd.s32 $0x400, s2  }
0x6: {  	s4 =	sand.u32 $0x1, s4;
	s15 =	sadd.s32 $0x600, s2;
	s9 =	sshll.u32 s7, $0x1  }
0x7: {  	s18 =	sadd.s32 $0x100, s8;
	_ =	strace $0x80000047;
	[dreg:$0x5] =	wrdreg s5  }
0x8: {  	s10 =	sshrl.u32 s7, $0x2;
	s19 =	sadd.s32 $0x200, s8;
	[dreg:$0x12] =	wrdreg s18  }
0x9: {  	s21 =	sadd.s32 $0x300, s8;
	s29 =	ssub.s32 $0x2, s4;
	[dreg:$0x13] =	wrdreg s19  }
0xa: {  	s4 =	sor.u32 s4, s9;
	s16 =	smul.u32 $0x202000, s10;
	[dreg:$0x14] =	wrdreg s21  }
0xb: {  	[dreg:$0x6] =	wrdreg s15;
	s6 =	sshrl.u32 s29, $0x1;
	s11 =	sand.u32 $0x7, s4  }
0xc: {  	s4 =	sshll.u32 s4, $0x8;
	s2 =	ssub.s32 s29, s6;
	s17 =	sshll.u32 s11, $0x12  }
0xd: {  	s0 =	sadd.s32 s0, s4;
	[dreg:$0x7] =	wrdreg s16;
	s20 =	sadd.s32 s16, s17  }
0xe: {  	s29 =	sadd.s32 $0x200000, s16;
	[dreg:$0x8] =	wrdreg s0;
	s0 =	sshrl.u32 s20, $0x3  }
0xf: {  	s30 =	simm.s32 $0x16800;
	[dreg:$0x11] =	wrdreg s29;
	s0 =	sadd.s32 s15, s0  }
0x10: {  	s31 =	simm.s32 $0x17000;
	s22 =	sadd.s32 $0x1000, s0;
	[dreg:$0x9] =	wrdreg s0  }
0x11: {  	s12 =	sadd.s32 $0x100, s1;
	s23 =	sadd.s32 $0x2000, s0;
	[dreg:$0xa] =	wrdreg s22  }
0x12: {  	s13 =	sadd.s32 $0x200, s1;
	s24 =	sadd.s32 $0x3000, s0;
	[dreg:$0xb] =	wrdreg s23  }
0x13: {  	s14 =	sadd.s32 $0x300, s1;
	s25 =	sadd.s32 $0x4000, s0;
	[dreg:$0xc] =	wrdreg s24  }
.Ltmp0:
0x14: {  	s26 =	sadd.s32 $0x5000, s0;
	[dreg:$0xd] =	wrdreg s25;
	(pc) =	sbr.rel .LBB2_1-.Ltmp0, $4  }
0x15: {  	s8 =	simm.s32 $0x1;
	s28 =	sadd.s32 $0x6000, s0;
	[dreg:$0xe] =	wrdreg s26  }
0x16: {  	v2 =	vlaneseq.u32;
	p0 =	seq.s32 s11, $0x0;
	s0 =	sadd.s32 $0x7000, s0;
	[dreg:$0xf] =	wrdreg s28  }
0x17: {  	vm0 =	vmmov $0xffff;
	v1 =	vshrl.u32 v2, $0x3;
	p1 =	sne.s32 s11, $0x7;
	[dreg:$0x10] =	wrdreg s0;
	s24 =	smax.u32 s2, $0x1  }
0x18: {  	v0 =	vand.u32 $0x7, v2;
	v2 =	vor.u32 $0x8, v2;
	v1 =	vmul.u32 $0x8, v1;
	s26 =	simm.s32 $0x8000;
	s23 =	simm.s32 $0x15800;
	s25 =	simm.s32 $0x16000  }
.LBB2_4:
0x19: {  	s4 =	sshrl.u32 s4, $0x3;
	s0 =	rddreg [dreg:$0x6]  }
0x1a: {  	s4 =	sadd.s32 s0, s4  }
0x1b: {  	[hbm4b:s4+s3] =	stream.linear.scatter [tilespmem:s28], [sflag:$0x8], $0x80, $0x38;
	[tilespmem:$0x1C880] =	vst v63  }
0x1c: {  	s10 =	sadd.s32 $0x400, s28;
	s6 =	sadd.s32 $0x80, s4  }
0x1d: {  	[hbm4b:s6+s3] =	stream.linear.scatter [tilespmem:s10], [sflag:$0x8], $0x80, $0x38;
	[tilespmem:$0x1C880] =	vst v63  }
0x1e: {  	s2 =	rddreg [dreg:$0x15];
	s11 =	sadd.s32 $0x100, s4  }
0x1f: {  	[hbm4b:s11+s3] =	stream.linear.scatter [tilespmem:s2], [sflag:$0x8], $0x80, $0x38;
	[tilespmem:$0x1C880] =	vst v63  }
0x20: {  	s15 =	sadd.s32 $0xC00, s28;
	s16 =	sadd.s32 $0x180, s4  }
0x21: {  	[hbm4b:s16+s3] =	stream.linear.scatter [tilespmem:s15], [sflag:$0x8], $0x80, $0x38;
	[tilespmem:$0x1C880] =	vst v63  }
0x22: {  	s18 =	rddreg [dreg:$0x16];
	s17 =	sadd.s32 $0x200, s4  }
0x23: {  	[hbm4b:s17+s3] =	stream.linear.scatter [tilespmem:s18], [sflag:$0x8], $0x80, $0x38;
	[tilespmem:$0x1C880] =	vst v63  }
0x24: {  	s19 =	sadd.s32 $0x1400, s28;
	s20 =	sadd.s32 $0x280, s4  }
0x25: {  	[hbm4b:s20+s3] =	stream.linear.scatter [tilespmem:s19], [sflag:$0x8], $0x80, $0x38;
	[tilespmem:$0x1C880] =	vst v63  }
0x26: {  	s22 =	rddreg [dreg:$0x17];
	s21 =	sadd.s32 $0x300, s4  }
0x27: {  	[hbm4b:s21+s3] =	stream.linear.scatter [tilespmem:s22], [sflag:$0x8], $0x80, $0x38;
	[tilespmem:$0x1C880] =	vst v63  }
0x28: {  	s29 =	simm.s32 $0x8;
	s28 =	sadd.s32 $0x1C00, s28;
	s4 =	sadd.s32 $0x380, s4  }
0x29: {  	[hbm4b:s4+s3] =	stream.linear.scatter [tilespmem:s28], [sflag:$0x8], $0x80, $0x38;
	[tilespmem:$0x1C880] =	vst v63  }
0x2a: {  	_ =	swait.ge [sflag:s29], $0x400  }
0x2b: {  	[sflag:s29] =	ssyncset.done $0x0  }
0x2c: {  	[sflag:s29] =	ssyncadd.s32 $0xFFFFFC00  }
.LBB2_5:
0x2d: {  	s24 =	sadd.s32 $0xFFFFFFFF, s24  }
0x2e: {  	p2 =	sne.s32 s24, $0x0  }
.Ltmp1:
0x2f: {  	_ = 	snop;
	(pc) =	sbr.rel @!p2 .LBB2_6-.Ltmp1, $1  }
0x30: {  	_ =	sdelay $0x3  }
.LBB2_1:
0x31: {  	s0 =	rddreg [dreg:$0x8];
	s4 =	simm.s32 $0x18000;
	s2 =	simm.s32 $0x8  }
0x32: {  	[tilespmem:s4], [sflag:$0x8] =	stream.linear.gather [hbm4b:s0+s3], $0x480, $0x38;
	[tilespmem:$0x1C880] =	vst v63  }
0x33: {  	_ =	swait.ge [sflag:s2], $0x480  }
0x34: {  	[sflag:s2] =	ssyncset.done $0x0  }
0x35: {  	s18 =	simm.s32 $0x18800;
	s17 =	rddreg [dreg:$0x5];
	[sflag:s2] =	ssyncadd.s32 $0xFFFFFB80  }
0x36: {  	[tilespmem:s18], [sflag:$0x8] =	stream.linear.gather [hbm4b:s17+s3], $0x80, $0x38;
	[tilespmem:$0x1C880] =	vst v63  }
0x37: {  	_ =	swait.ge [sflag:s2], $0x80  }
0x38: {  	[sflag:s2] =	ssyncset.done $0x0  }
0x39: {  	[sflag:s2] =	ssyncadd.s32 $0xFFFFFF80  }
0x3a: {  	v3 =	vld [tilespmem:$0x18800];
	_ =	sdelay $0x4  }
0x3b: {  	v4 =	vshll.u32 v3, $0x3  }
0x3c: {  	v3 =	vand.u32 $0x7, v3;
	v4 =	vand.u32 $0xFFFFFFC0, v4  }
0x3d: {  	v3 =	vor.u32 v3, v4  }
0x3e: {  	v4 =	vperm.xlane v3, v0;
	_ =	sdelay $0x1  }
0x3f: {  	v4 =	vadd.s32 v1, v4;
	_ =	sdelay $0x1  }
0x40: {  	s7 =	simm.s32 $0x19880  }
0x41: {  	[dreg:$0x16] =	wrdreg s7  }
0x42: {  	s28 =	simm.s32 $0x18880;
	s19 =	rddreg [dreg:$0x3]  }
0x43: {  	[tilespmem:s28], [sflag:$0x7] =	stream.indirect_vreg.gather [hbm4b:s19+s3], $0x80, v4, vm0, $0xb8;
	[tilespmem:$0x1C880] =	vst v63  }
0x44: {  	s5 =	simm.s32 $0x19080;
	s20 =	rddreg [dreg:$0x12];
	v3 =	vperm.xlane v3, v2  }
0x45: {  	[tilespmem:s5], [sflag:$0x7] =	stream.indirect_vreg.gather [hbm4b:s20+s3], $0x80, v4, vm0, $0xb8;
	[tilespmem:$0x1C880] =	vst v63  }
0x46: {  	s6 =	simm.s32 $0x19880;
	s22 =	rddreg [dreg:$0x13];
	v3 =	vadd.s32 v1, v3  }
0x47: {  	[tilespmem:s6], [sflag:$0x7] =	stream.indirect_vreg.gather [hbm4b:s22+s3], $0x80, v4, vm0, $0xb8;
	[tilespmem:$0x1C880] =	vst v63  }
0x48: {  	s7 =	simm.s32 $0x1A080;
	s9 =	rddreg [dreg:$0x14]  }
0x49: {  	[tilespmem:s7], [sflag:$0x7] =	stream.indirect_vreg.gather [hbm4b:s9+s3], $0x80, v4, vm0, $0xb8;
	[tilespmem:$0x1C880] =	vst v63  }
0x4a: {  	s11 =	simm.s32 $0x1A880  }
0x4b: {  	[tilespmem:s11], [sflag:$0x7] =	stream.indirect_vreg.gather [hbm4b:s19+s3], $0x80, v3, vm0, $0xb8;
	[tilespmem:$0x1C880] =	vst v63  }
0x4c: {  	s15 =	simm.s32 $0x1B080  }
0x4d: {  	[tilespmem:s15], [sflag:$0x7] =	stream.indirect_vreg.gather [hbm4b:s20+s3], $0x80, v3, vm0, $0xb8;
	[tilespmem:$0x1C880] =	vst v63  }
0x4e: {  	s16 =	simm.s32 $0x1B880  }
0x4f: {  	[tilespmem:s16], [sflag:$0x7] =	stream.indirect_vreg.gather [hbm4b:s22+s3], $0x80, v3, vm0, $0xb8;
	[tilespmem:$0x1C880] =	vst v63  }
0x50: {  	s17 =	simm.s32 $0x1C080  }
0x51: {  	[tilespmem:s17], [sflag:$0x7] =	stream.indirect_vreg.gather [hbm4b:s9+s3], $0x80, v3, vm0, $0xb8;
	[tilespmem:$0x1C880] =	vst v63  }
0x52: {  	v3 =	vld [tilespmem:$0x18000];
	_ =	sdelay $0x4  }
0x53: {  	v48 =	vshll.u32 v3, $0x3  }
0x54: {  	v3 =	vand.u32 $0x7, v3;
	v4 =	vand.u32 $0xFFFFFFC0, v48  }
0x55: {  	v3 =	vor.u32 v3, v4  }
0x56: {  	v4 =	vperm.xlane v3, v0;
	_ =	sdelay $0x1  }
0x57: {  	v4 =	vadd.s32 v1, v4;
	_ =	sdelay $0x4  }
0x58: {  	[tilespmem:s3], [sflag:$0x1] =	stream.indirect_vreg.gather [hbm4b:s1+s3], $0x80, v4, vm0, $0xb8;
	[tilespmem:$0x1C880] =	vst v63  }
0x59: {  	s18 =	simm.s32 $0x800;
	v3 =	vperm.xlane v3, v2  }
0x5a: {  	[tilespmem:s18], [sflag:$0x1] =	stream.indirect_vreg.gather [hbm4b:s12+s3], $0x80, v4, vm0, $0xb8;
	[tilespmem:$0x1C880] =	vst v63  }
0x5b: {  	s6 =	simm.s32 $0x1000;
	v3 =	vadd.s32 v1, v3  }
0x5c: {  	[tilespmem:s6], [sflag:$0x1] =	stream.indirect_vreg.gather [hbm4b:s13+s3], $0x80, v4, vm0, $0xb8;
	[tilespmem:$0x1C880] =	vst v63  }
0x5d: {  	s19 =	simm.s32 $0x1800  }
0x5e: {  	[tilespmem:s19], [sflag:$0x1] =	stream.indirect_vreg.gather [hbm4b:s14+s3], $0x80, v4, vm0, $0xb8;
	[tilespmem:$0x1C880] =	vst v63  }
0x5f: {  	s21 =	simm.s32 $0x19080;
	s20 =	simm.s32 $0x2000  }
0x60: {  	[tilespmem:s20], [sflag:$0x1] =	stream.indirect_vreg.gather [hbm4b:s1+s3], $0x80, v3, vm0, $0xb8;
	[tilespmem:$0x1C880] =	vst v63  }
0x61: {  	[dreg:$0x15] =	wrdreg s21;
	s21 =	simm.s32 $0x2800  }
0x62: {  	[tilespmem:s21], [sflag:$0x1] =	stream.indirect_vreg.gather [hbm4b:s12+s3], $0x80, v3, vm0, $0xb8;
	[tilespmem:$0x1C880] =	vst v63  }
0x63: {  	s22 =	simm.s32 $0x3000  }
0x64: {  	[tilespmem:s22], [sflag:$0x1] =	stream.indirect_vreg.gather [hbm4b:s13+s3], $0x80, v3, vm0, $0xb8;
	[tilespmem:$0x1C880] =	vst v63  }
0x65: {  	s2 =	simm.s32 $0x3800  }
0x66: {  	[tilespmem:s2], [sflag:$0x1] =	stream.indirect_vreg.gather [hbm4b:s14+s3], $0x80, v3, vm0, $0xb8;
	[tilespmem:$0x1C880] =	vst v63  }
0x67: {  	v3 =	vld [tilespmem:$0x18010];
	_ =	sdelay $0x4  }
0x68: {  	v49 =	vshll.u32 v3, $0x3  }
0x69: {  	v3 =	vand.u32 $0x7, v3;
	v4 =	vand.u32 $0xFFFFFFC0, v49  }
0x6a: {  	v3 =	vor.u32 v3, v4  }
0x6b: {  	v4 =	vperm.xlane v3, v0;
	_ =	sdelay $0x1  }
0x6c: {  	v4 =	vadd.s32 v1, v4;
	_ =	sdelay $0x3  }
0x6d: {  	s4 =	simm.s32 $0x4000  }
0x6e: {  	[tilespmem:s4], [sflag:$0x1] =	stream.indirect_vreg.gather [hbm4b:s1+s3], $0x80, v4, vm0, $0xb8;
	[tilespmem:$0x1C880] =	vst v63  }
0x6f: {  	s5 =	simm.s32 $0x4800;
	v3 =	vperm.xlane v3, v2  }
0x70: {  	[tilespmem:s5], [sflag:$0x1] =	stream.indirect_vreg.gather [hbm4b:s12+s3], $0x80, v4, vm0, $0xb8;
	[tilespmem:$0x1C880] =	vst v63  }
0x71: {  	s10 =	simm.s32 $0x1A080;
	s9 =	simm.s32 $0x5000;
	v3 =	vadd.s32 v1, v3  }
0x72: {  	[tilespmem:s9], [sflag:$0x1] =	stream.indirect_vreg.gather [hbm4b:s13+s3], $0x80, v4, vm0, $0xb8;
	[tilespmem:$0x1C880] =	vst v63  }
0x73: {  	[dreg:$0x17] =	wrdreg s10;
	s10 =	simm.s32 $0x5800  }
0x74: {  	[tilespmem:s10], [sflag:$0x1] =	stream.indirect_vreg.gather [hbm4b:s14+s3], $0x80, v4, vm0, $0xb8;
	[tilespmem:$0x1C880] =	vst v63  }
0x75: {  	s11 =	simm.s32 $0x6000  }
0x76: {  	[tilespmem:s11], [sflag:$0x1] =	stream.indirect_vreg.gather [hbm4b:s1+s3], $0x80, v3, vm0, $0xb8;
	[tilespmem:$0x1C880] =	vst v63  }
0x77: {  	s15 =	simm.s32 $0x6800  }
0x78: {  	[tilespmem:s15], [sflag:$0x1] =	stream.indirect_vreg.gather [hbm4b:s12+s3], $0x80, v3, vm0, $0xb8;
	[tilespmem:$0x1C880] =	vst v63  }
0x79: {  	s16 =	simm.s32 $0x7000  }
0x7a: {  	[tilespmem:s16], [sflag:$0x1] =	stream.indirect_vreg.gather [hbm4b:s13+s3], $0x80, v3, vm0, $0xb8;
	[tilespmem:$0x1C880] =	vst v63  }
0x7b: {  	s17 =	simm.s32 $0x7800  }
0x7c: {  	[tilespmem:s17], [sflag:$0x1] =	stream.indirect_vreg.gather [hbm4b:s14+s3], $0x80, v3, vm0, $0xb8;
	[tilespmem:$0x1C880] =	vst v63  }
0x7d: {  	v3 =	vld [tilespmem:$0x18080];
	_ =	sdelay $0x4  }
0x7e: {  	v50 =	vshll.u32 v3, $0x3  }
0x7f: {  	v3 =	vand.u32 $0x7, v3;
	v4 =	vand.u32 $0xFFFFFFC0, v50  }
0x80: {  	v3 =	vor.u32 v3, v4  }
0x81: {  	v4 =	vperm.xlane v3, v0;
	_ =	sdelay $0x1  }
0x82: {  	v4 =	vadd.s32 v1, v4;
	_ =	sdelay $0x4  }
0x83: {  	[tilespmem:s26], [sflag:$0x2] =	stream.indirect_vreg.gather [hbm4b:s1+s3], $0x80, v4, vm0, $0xb8;
	[tilespmem:$0x1C880] =	vst v63  }
0x84: {  	s18 =	simm.s32 $0x8800;
	v3 =	vperm.xlane v3, v2  }
0x85: {  	[tilespmem:s18], [sflag:$0x2] =	stream.indirect_vreg.gather [hbm4b:s12+s3], $0x80, v4, vm0, $0xb8;
	[tilespmem:$0x1C880] =	vst v63  }
0x86: {  	s19 =	simm.s32 $0x9000;
	v3 =	vadd.s32 v1, v3  }
0x87: {  	[tilespmem:s19], [sflag:$0x2] =	stream.indirect_vreg.gather [hbm4b:s13+s3], $0x80, v4, vm0, $0xb8;
	[tilespmem:$0x1C880] =	vst v63  }
0x88: {  	s21 =	simm.s32 $0x9800  }
0x89: {  	[tilespmem:s21], [sflag:$0x2] =	stream.indirect_vreg.gather [hbm4b:s14+s3], $0x80, v4, vm0, $0xb8;
	[tilespmem:$0x1C880] =	vst v63  }
0x8a: {  	s2 =	simm.s32 $0xA000  }
0x8b: {  	[tilespmem:s2], [sflag:$0x2] =	stream.indirect_vreg.gather [hbm4b:s1+s3], $0x80, v3, vm0, $0xb8;
	[tilespmem:$0x1C880] =	vst v63  }
0x8c: {  	s4 =	simm.s32 $0xA800  }
0x8d: {  	[tilespmem:s4], [sflag:$0x2] =	stream.indirect_vreg.gather [hbm4b:s12+s3], $0x80, v3, vm0, $0xb8;
	[tilespmem:$0x1C880] =	vst v63  }
0x8e: {  	s5 =	simm.s32 $0xB000  }
0x8f: {  	[tilespmem:s5], [sflag:$0x2] =	stream.indirect_vreg.gather [hbm4b:s13+s3], $0x80, v3, vm0, $0xb8;
	[tilespmem:$0x1C880] =	vst v63  }
0x90: {  	s9 =	simm.s32 $0xB800  }
0x91: {  	[tilespmem:s9], [sflag:$0x2] =	stream.indirect_vreg.gather [hbm4b:s14+s3], $0x80, v3, vm0, $0xb8;
	[tilespmem:$0x1C880] =	vst v63  }
0x92: {  	v3 =	vld [tilespmem:$0x18090];
	_ =	sdelay $0x4  }
0x93: {  	v51 =	vshll.u32 v3, $0x3  }
0x94: {  	v3 =	vand.u32 $0x7, v3;
	v4 =	vand.u32 $0xFFFFFFC0, v51  }
0x95: {  	v3 =	vor.u32 v3, v4  }
0x96: {  	v4 =	vperm.xlane v3, v0;
	_ =	sdelay $0x1  }
0x97: {  	v4 =	vadd.s32 v1, v4;
	_ =	sdelay $0x3  }
0x98: {  	s10 =	simm.s32 $0xC000  }
0x99: {  	[tilespmem:s10], [sflag:$0x2] =	stream.indirect_vreg.gather [hbm4b:s1+s3], $0x80, v4, vm0, $0xb8;
	[tilespmem:$0x1C880] =	vst v63  }
0x9a: {  	s11 =	simm.s32 $0xC800;
	v3 =	vperm.xlane v3, v2  }
0x9b: {  	[tilespmem:s11], [sflag:$0x2] =	stream.indirect_vreg.gather [hbm4b:s12+s3], $0x80, v4, vm0, $0xb8;
	[tilespmem:$0x1C880] =	vst v63  }
0x9c: {  	s15 =	simm.s32 $0xD000;
	v3 =	vadd.s32 v1, v3  }
0x9d: {  	[tilespmem:s15], [sflag:$0x2] =	stream.indirect_vreg.gather [hbm4b:s13+s3], $0x80, v4, vm0, $0xb8;
	[tilespmem:$0x1C880] =	vst v63  }
0x9e: {  	s16 =	simm.s32 $0xD800  }
0x9f: {  	[tilespmem:s16], [sflag:$0x2] =	stream.indirect_vreg.gather [hbm4b:s14+s3], $0x80, v4, vm0, $0xb8;
	[tilespmem:$0x1C880] =	vst v63  }
0xa0: {  	s17 =	simm.s32 $0xE000  }
0xa1: {  	[tilespmem:s17], [sflag:$0x2] =	stream.indirect_vreg.gather [hbm4b:s1+s3], $0x80, v3, vm0, $0xb8;
	[tilespmem:$0x1C880] =	vst v63  }
0xa2: {  	s18 =	simm.s32 $0xE800  }
0xa3: {  	[tilespmem:s18], [sflag:$0x2] =	stream.indirect_vreg.gather [hbm4b:s12+s3], $0x80, v3, vm0, $0xb8;
	[tilespmem:$0x1C880] =	vst v63  }
0xa4: {  	s19 =	simm.s32 $0xF000  }
0xa5: {  	[tilespmem:s19], [sflag:$0x2] =	stream.indirect_vreg.gather [hbm4b:s13+s3], $0x80, v3, vm0, $0xb8;
	[tilespmem:$0x1C880] =	vst v63  }
0xa6: {  	s21 =	simm.s32 $0xF800  }
0xa7: {  	[tilespmem:s21], [sflag:$0x2] =	stream.indirect_vreg.gather [hbm4b:s14+s3], $0x80, v3, vm0, $0xb8;
	[tilespmem:$0x1C880] =	vst v63  }
0xa8: {  	v3 =	vld [tilespmem:$0x18100];
	_ =	sdelay $0x4  }
0xa9: {  	v52 =	vshll.u32 v3, $0x3  }
0xaa: {  	v3 =	vand.u32 $0x7, v3;
	v4 =	vand.u32 $0xFFFFFFC0, v52  }
0xab: {  	v3 =	vor.u32 v3, v4  }
0xac: {  	v4 =	vperm.xlane v3, v0;
	_ =	sdelay $0x1  }
0xad: {  	v4 =	vadd.s32 v1, v4;
	_ =	sdelay $0x3  }
0xae: {  	s5 =	simm.s32 $0x10000  }
0xaf: {  	[tilespmem:s5], [sflag:$0x3] =	stream.indirect_vreg.gather [hbm4b:s1+s3], $0x80, v4, vm0, $0xb8;
	[tilespmem:$0x1C880] =	vst v63  }
0xb0: {  	s29 =	simm.s32 $0x10800;
	v3 =	vperm.xlane v3, v2  }
0xb1: {  	[tilespmem:s29], [sflag:$0x3] =	stream.indirect_vreg.gather [hbm4b:s12+s3], $0x80, v4, vm0, $0xb8;
	[tilespmem:$0x1C880] =	vst v63  }
0xb2: {  	s4 =	simm.s32 $0x11000;
	v3 =	vadd.s32 v1, v3  }
0xb3: {  	[tilespmem:s4], [sflag:$0x3] =	stream.indirect_vreg.gather [hbm4b:s13+s3], $0x80, v4, vm0, $0xb8;
	[tilespmem:$0x1C880] =	vst v63  }
0xb4: {  	s9 =	simm.s32 $0x11800  }
0xb5: {  	[tilespmem:s9], [sflag:$0x3] =	stream.indirect_vreg.gather [hbm4b:s14+s3], $0x80, v4, vm0, $0xb8;
	[tilespmem:$0x1C880] =	vst v63  }
0xb6: {  	s10 =	simm.s32 $0x12000  }
0xb7: {  	[tilespmem:s10], [sflag:$0x3] =	stream.indirect_vreg.gather [hbm4b:s1+s3], $0x80, v3, vm0, $0xb8;
	[tilespmem:$0x1C880] =	vst v63  }
0xb8: {  	s11 =	simm.s32 $0x12800  }
0xb9: {  	[tilespmem:s11], [sflag:$0x3] =	stream.indirect_vreg.gather [hbm4b:s12+s3], $0x80, v3, vm0, $0xb8;
	[tilespmem:$0x1C880] =	vst v63  }
0xba: {  	s15 =	simm.s32 $0x13000  }
0xbb: {  	[tilespmem:s15], [sflag:$0x3] =	stream.indirect_vreg.gather [hbm4b:s13+s3], $0x80, v3, vm0, $0xb8;
	[tilespmem:$0x1C880] =	vst v63  }
0xbc: {  	s16 =	simm.s32 $0x13800  }
0xbd: {  	[tilespmem:s16], [sflag:$0x3] =	stream.indirect_vreg.gather [hbm4b:s14+s3], $0x80, v3, vm0, $0xb8;
	[tilespmem:$0x1C880] =	vst v63  }
0xbe: {  	v3 =	vld [tilespmem:$0x18110];
	_ =	sdelay $0x4  }
0xbf: {  	v53 =	vshll.u32 v3, $0x3  }
0xc0: {  	v3 =	vand.u32 $0x7, v3;
	v4 =	vand.u32 $0xFFFFFFC0, v53  }
0xc1: {  	v3 =	vor.u32 v3, v4  }
0xc2: {  	v4 =	vperm.xlane v3, v0;
	_ =	sdelay $0x1  }
0xc3: {  	v4 =	vadd.s32 v1, v4;
	_ =	sdelay $0x3  }
0xc4: {  	s17 =	simm.s32 $0x14000  }
0xc5: {  	[tilespmem:s17], [sflag:$0x3] =	stream.indirect_vreg.gather [hbm4b:s1+s3], $0x80, v4, vm0, $0xb8;
	[tilespmem:$0x1C880] =	vst v63  }
0xc6: {  	s18 =	simm.s32 $0x14800;
	v3 =	vperm.xlane v3, v2  }
0xc7: {  	[tilespmem:s18], [sflag:$0x3] =	stream.indirect_vreg.gather [hbm4b:s12+s3], $0x80, v4, vm0, $0xb8;
	[tilespmem:$0x1C880] =	vst v63  }
0xc8: {  	s19 =	simm.s32 $0x15000;
	v3 =	vadd.s32 v1, v3  }
0xc9: {  	[tilespmem:s19], [sflag:$0x3] =	stream.indirect_vreg.gather [hbm4b:s13+s3], $0x80, v4, vm0, $0xb8;
	[tilespmem:$0x1C880] =	vst v63  }
0xca: {  	_ = 	snop  }
0xcb: {  	[tilespmem:s23], [sflag:$0x3] =	stream.indirect_vreg.gather [hbm4b:s14+s3], $0x80, v4, vm0, $0xb8;
	[tilespmem:$0x1C880] =	vst v63  }
0xcc: {  	_ = 	snop  }
0xcd: {  	[tilespmem:s25], [sflag:$0x3] =	stream.indirect_vreg.gather [hbm4b:s1+s3], $0x80, v3, vm0, $0xb8;
	[tilespmem:$0x1C880] =	vst v63  }
0xce: {  	_ = 	snop  }
0xcf: {  	[tilespmem:s30], [sflag:$0x3] =	stream.indirect_vreg.gather [hbm4b:s12+s3], $0x80, v3, vm0, $0xb8;
	[tilespmem:$0x1C880] =	vst v63  }
0xd0: {  	_ = 	snop  }
0xd1: {  	[tilespmem:s31], [sflag:$0x3] =	stream.indirect_vreg.gather [hbm4b:s13+s3], $0x80, v3, vm0, $0xb8;
	[tilespmem:$0x1C880] =	vst v63  }
0xd2: {  	s21 =	simm.s32 $0x17800  }
0xd3: {  	[tilespmem:s21], [sflag:$0x3] =	stream.indirect_vreg.gather [hbm4b:s14+s3], $0x80, v3, vm0, $0xb8;
	[tilespmem:$0x1C880] =	vst v63  }
0xd4: {  	_ =	swait.ge [sflag:s8], $0x8000  }
0xd5: {  	[sflag:s8] =	ssyncset.done $0x0  }
0xd6: {  	s2 =	rddreg [dreg:$0x9];
	[sflag:s8] =	ssyncadd.s32 $0xFFFF8000  }
0xd7: {  	[hbm4b:s2+s3] =	stream.linear.scatter [tilespmem:s3], [sflag:$0x4], $0x8000, $0x38;
	[tilespmem:$0x1C880] =	vst v63  }
0xd8: {  	s2 =	simm.s32 $0x4  }
0xd9: {  	_ =	swait.ge [sflag:s2], $0x8000  }
0xda: {  	[sflag:s2] =	ssyncset.done $0x0  }
0xdb: {  	[sflag:s2] =	ssyncadd.s32 $0xFFFF8000  }
0xdc: {  	v3 =	vld [tilespmem:$0x18180];
	_ =	sdelay $0x4  }
0xdd: {  	v54 =	vshll.u32 v3, $0x3  }
0xde: {  	v3 =	vand.u32 $0x7, v3;
	v4 =	vand.u32 $0xFFFFFFC0, v54  }
0xdf: {  	v3 =	vor.u32 v3, v4  }
0xe0: {  	v4 =	vperm.xlane v3, v0;
	_ =	sdelay $0x1  }
0xe1: {  	v4 =	vadd.s32 v1, v4;
	_ =	sdelay $0x4  }
0xe2: {  	[tilespmem:s3], [sflag:$0x1] =	stream.indirect_vreg.gather [hbm4b:s1+s3], $0x80, v4, vm0, $0xb8;
	[tilespmem:$0x1C880] =	vst v63  }
0xe3: {  	s7 =	simm.s32 $0x800;
	v3 =	vperm.xlane v3, v2  }
0xe4: {  	[tilespmem:s7], [sflag:$0x1] =	stream.indirect_vreg.gather [hbm4b:s12+s3], $0x80, v4, vm0, $0xb8;
	[tilespmem:$0x1C880] =	vst v63  }
0xe5: {  	v3 =	vadd.s32 v1, v3  }
0xe6: {  	[tilespmem:s6], [sflag:$0x1] =	stream.indirect_vreg.gather [hbm4b:s13+s3], $0x80, v4, vm0, $0xb8;
	[tilespmem:$0x1C880] =	vst v63  }
0xe7: {  	s7 =	simm.s32 $0x1800  }
0xe8: {  	[tilespmem:s7], [sflag:$0x1] =	stream.indirect_vreg.gather [hbm4b:s14+s3], $0x80, v4, vm0, $0xb8;
	[tilespmem:$0x1C880] =	vst v63  }
0xe9: {  	s7 =	simm.s32 $0x2000  }
0xea: {  	[tilespmem:s7], [sflag:$0x1] =	stream.indirect_vreg.gather [hbm4b:s1+s3], $0x80, v3, vm0, $0xb8;
	[tilespmem:$0x1C880] =	vst v63  }
0xeb: {  	s7 =	simm.s32 $0x2800  }
0xec: {  	[tilespmem:s7], [sflag:$0x1] =	stream.indirect_vreg.gather [hbm4b:s12+s3], $0x80, v3, vm0, $0xb8;
	[tilespmem:$0x1C880] =	vst v63  }
0xed: {  	s7 =	simm.s32 $0x3000  }
0xee: {  	[tilespmem:s7], [sflag:$0x1] =	stream.indirect_vreg.gather [hbm4b:s13+s3], $0x80, v3, vm0, $0xb8;
	[tilespmem:$0x1C880] =	vst v63  }
0xef: {  	s20 =	simm.s32 $0x3800  }
0xf0: {  	[tilespmem:s20], [sflag:$0x1] =	stream.indirect_vreg.gather [hbm4b:s14+s3], $0x80, v3, vm0, $0xb8;
	[tilespmem:$0x1C880] =	vst v63  }
0xf1: {  	v3 =	vld [tilespmem:$0x18190];
	_ =	sdelay $0x4  }
0xf2: {  	v55 =	vshll.u32 v3, $0x3  }
0xf3: {  	v3 =	vand.u32 $0x7, v3;
	v4 =	vand.u32 $0xFFFFFFC0, v55  }
0xf4: {  	v3 =	vor.u32 v3, v4  }
0xf5: {  	v4 =	vperm.xlane v3, v0;
	_ =	sdelay $0x1  }
0xf6: {  	v4 =	vadd.s32 v1, v4;
	_ =	sdelay $0x3  }
0xf7: {  	s22 =	simm.s32 $0x4000  }
0xf8: {  	[tilespmem:s22], [sflag:$0x1] =	stream.indirect_vreg.gather [hbm4b:s1+s3], $0x80, v4, vm0, $0xb8;
	[tilespmem:$0x1C880] =	vst v63  }
0xf9: {  	s7 =	simm.s32 $0x4800;
	v3 =	vperm.xlane v3, v2  }
0xfa: {  	[tilespmem:s7], [sflag:$0x1] =	stream.indirect_vreg.gather [hbm4b:s12+s3], $0x80, v4, vm0, $0xb8;
	[tilespmem:$0x1C880] =	vst v63  }
0xfb: {  	s20 =	simm.s32 $0x5000;
	v3 =	vadd.s32 v1, v3  }
0xfc: {  	[tilespmem:s20], [sflag:$0x1] =	stream.indirect_vreg.gather [hbm4b:s13+s3], $0x80, v4, vm0, $0xb8;
	[tilespmem:$0x1C880] =	vst v63  }
0xfd: {  	s22 =	simm.s32 $0x5800  }
0xfe: {  	[tilespmem:s22], [sflag:$0x1] =	stream.indirect_vreg.gather [hbm4b:s14+s3], $0x80, v4, vm0, $0xb8;
	[tilespmem:$0x1C880] =	vst v63  }
0xff: {  	s7 =	simm.s32 $0x6000  }
0x100: {  	[tilespmem:s7], [sflag:$0x1] =	stream.indirect_vreg.gather [hbm4b:s1+s3], $0x80, v3, vm0, $0xb8;
	[tilespmem:$0x1C880] =	vst v63  }
0x101: {  	s20 =	simm.s32 $0x6800  }
0x102: {  	[tilespmem:s20], [sflag:$0x1] =	stream.indirect_vreg.gather [hbm4b:s12+s3], $0x80, v3, vm0, $0xb8;
	[tilespmem:$0x1C880] =	vst v63  }
0x103: {  	s22 =	simm.s32 $0x7000  }
0x104: {  	[tilespmem:s22], [sflag:$0x1] =	stream.indirect_vreg.gather [hbm4b:s13+s3], $0x80, v3, vm0, $0xb8;
	[tilespmem:$0x1C880] =	vst v63  }
0x105: {  	s7 =	simm.s32 $0x7800  }
0x106: {  	[tilespmem:s7], [sflag:$0x1] =	stream.indirect_vreg.gather [hbm4b:s14+s3], $0x80, v3, vm0, $0xb8;
	[tilespmem:$0x1C880] =	vst v63  }
0x107: {  	s7 =	simm.s32 $0x2  }
0x108: {  	_ =	swait.ge [sflag:s7], $0x8000  }
0x109: {  	[sflag:s7] =	ssyncset.done $0x0  }
0x10a: {  	s20 =	rddreg [dreg:$0xa];
	[sflag:s7] =	ssyncadd.s32 $0xFFFF8000  }
0x10b: {  	[hbm4b:s20+s3] =	stream.linear.scatter [tilespmem:s26], [sflag:$0x5], $0x8000, $0x38;
	[tilespmem:$0x1C880] =	vst v63  }
0x10c: {  	s20 =	simm.s32 $0x5  }
0x10d: {  	_ =	swait.ge [sflag:s20], $0x8000  }
0x10e: {  	[sflag:s20] =	ssyncset.done $0x0  }
0x10f: {  	[sflag:s20] =	ssyncadd.s32 $0xFFFF8000  }
0x110: {  	v3 =	vld [tilespmem:$0x18200];
	_ =	sdelay $0x4  }
0x111: {  	v56 =	vshll.u32 v3, $0x3  }
0x112: {  	v3 =	vand.u32 $0x7, v3;
	v4 =	vand.u32 $0xFFFFFFC0, v56  }
0x113: {  	v3 =	vor.u32 v3, v4  }
0x114: {  	v4 =	vperm.xlane v3, v0;
	_ =	sdelay $0x1  }
0x115: {  	v4 =	vadd.s32 v1, v4;
	_ =	sdelay $0x4  }
0x116: {  	[tilespmem:s26], [sflag:$0x2] =	stream.indirect_vreg.gather [hbm4b:s1+s3], $0x80, v4, vm0, $0xb8;
	[tilespmem:$0x1C880] =	vst v63  }
0x117: {  	s22 =	simm.s32 $0x8800;
	v3 =	vperm.xlane v3, v2  }
0x118: {  	[tilespmem:s22], [sflag:$0x2] =	stream.indirect_vreg.gather [hbm4b:s12+s3], $0x80, v4, vm0, $0xb8;
	[tilespmem:$0x1C880] =	vst v63  }
0x119: {  	v3 =	vadd.s32 v1, v3;
	s22 =	simm.s32 $0x9000  }
0x11a: {  	[tilespmem:s22], [sflag:$0x2] =	stream.indirect_vreg.gather [hbm4b:s13+s3], $0x80, v4, vm0, $0xb8;
	[tilespmem:$0x1C880] =	vst v63  }
0x11b: {  	s22 =	simm.s32 $0x9800  }
0x11c: {  	[tilespmem:s22], [sflag:$0x2] =	stream.indirect_vreg.gather [hbm4b:s14+s3], $0x80, v4, vm0, $0xb8;
	[tilespmem:$0x1C880] =	vst v63  }
0x11d: {  	s22 =	simm.s32 $0xA000  }
0x11e: {  	[tilespmem:s22], [sflag:$0x2] =	stream.indirect_vreg.gather [hbm4b:s1+s3], $0x80, v3, vm0, $0xb8;
	[tilespmem:$0x1C880] =	vst v63  }
0x11f: {  	s22 =	simm.s32 $0xA800  }
0x120: {  	[tilespmem:s22], [sflag:$0x2] =	stream.indirect_vreg.gather [hbm4b:s12+s3], $0x80, v3, vm0, $0xb8;
	[tilespmem:$0x1C880] =	vst v63  }
0x121: {  	s22 =	simm.s32 $0xB000  }
0x122: {  	[tilespmem:s22], [sflag:$0x2] =	stream.indirect_vreg.gather [hbm4b:s13+s3], $0x80, v3, vm0, $0xb8;
	[tilespmem:$0x1C880] =	vst v63  }
0x123: {  	s22 =	simm.s32 $0xB800  }
0x124: {  	[tilespmem:s22], [sflag:$0x2] =	stream.indirect_vreg.gather [hbm4b:s14+s3], $0x80, v3, vm0, $0xb8;
	[tilespmem:$0x1C880] =	vst v63  }
0x125: {  	v3 =	vld [tilespmem:$0x18210];
	_ =	sdelay $0x4  }
0x126: {  	v57 =	vshll.u32 v3, $0x3  }
0x127: {  	v3 =	vand.u32 $0x7, v3;
	v4 =	vand.u32 $0xFFFFFFC0, v57  }
0x128: {  	v3 =	vor.u32 v3, v4  }
0x129: {  	v4 =	vperm.xlane v3, v0;
	_ =	sdelay $0x1  }
0x12a: {  	v4 =	vadd.s32 v1, v4;
	_ =	sdelay $0x3  }
0x12b: {  	s22 =	simm.s32 $0xC000  }
0x12c: {  	[tilespmem:s22], [sflag:$0x2] =	stream.indirect_vreg.gather [hbm4b:s1+s3], $0x80, v4, vm0, $0xb8;
	[tilespmem:$0x1C880] =	vst v63  }
0x12d: {  	v3 =	vperm.xlane v3, v2;
	s22 =	simm.s32 $0xC800  }
0x12e: {  	[tilespmem:s22], [sflag:$0x2] =	stream.indirect_vreg.gather [hbm4b:s12+s3], $0x80, v4, vm0, $0xb8;
	[tilespmem:$0x1C880] =	vst v63  }
0x12f: {  	v3 =	vadd.s32 v1, v3;
	s22 =	simm.s32 $0xD000  }
0x130: {  	[tilespmem:s22], [sflag:$0x2] =	stream.indirect_vreg.gather [hbm4b:s13+s3], $0x80, v4, vm0, $0xb8;
	[tilespmem:$0x1C880] =	vst v63  }
0x131: {  	s22 =	simm.s32 $0xD800  }
0x132: {  	[tilespmem:s22], [sflag:$0x2] =	stream.indirect_vreg.gather [hbm4b:s14+s3], $0x80, v4, vm0, $0xb8;
	[tilespmem:$0x1C880] =	vst v63  }
0x133: {  	s22 =	simm.s32 $0xE000  }
0x134: {  	[tilespmem:s22], [sflag:$0x2] =	stream.indirect_vreg.gather [hbm4b:s1+s3], $0x80, v3, vm0, $0xb8;
	[tilespmem:$0x1C880] =	vst v63  }
0x135: {  	s22 =	simm.s32 $0xE800  }
0x136: {  	[tilespmem:s22], [sflag:$0x2] =	stream.indirect_vreg.gather [hbm4b:s12+s3], $0x80, v3, vm0, $0xb8;
	[tilespmem:$0x1C880] =	vst v63  }
0x137: {  	s22 =	simm.s32 $0xF000  }
0x138: {  	[tilespmem:s22], [sflag:$0x2] =	stream.indirect_vreg.gather [hbm4b:s13+s3], $0x80, v3, vm0, $0xb8;
	[tilespmem:$0x1C880] =	vst v63  }
0x139: {  	s22 =	simm.s32 $0xF800  }
0x13a: {  	[tilespmem:s22], [sflag:$0x2] =	stream.indirect_vreg.gather [hbm4b:s14+s3], $0x80, v3, vm0, $0xb8;
	[tilespmem:$0x1C880] =	vst v63  }
0x13b: {  	s22 =	simm.s32 $0x3  }
0x13c: {  	_ =	swait.ge [sflag:s22], $0x8000  }
0x13d: {  	[sflag:s22] =	ssyncset.done $0x0  }
0x13e: {  	s0 =	rddreg [dreg:$0xb];
	[sflag:s22] =	ssyncadd.s32 $0xFFFF8000  }
0x13f: {  	[hbm4b:s0+s3] =	stream.linear.scatter [tilespmem:s5], [sflag:$0x6], $0x8000, $0x38;
	[tilespmem:$0x1C880] =	vst v63  }
0x140: {  	s0 =	simm.s32 $0x6  }
0x141: {  	_ =	swait.ge [sflag:s0], $0x8000  }
0x142: {  	[sflag:s0] =	ssyncset.done $0x0  }
0x143: {  	[sflag:s0] =	ssyncadd.s32 $0xFFFF8000  }
0x144: {  	v3 =	vld [tilespmem:$0x18280];
	_ =	sdelay $0x4  }
0x145: {  	v58 =	vshll.u32 v3, $0x3  }
0x146: {  	v3 =	vand.u32 $0x7, v3;
	v4 =	vand.u32 $0xFFFFFFC0, v58  }
0x147: {  	v3 =	vor.u32 v3, v4  }
0x148: {  	v4 =	vperm.xlane v3, v0;
	_ =	sdelay $0x1  }
0x149: {  	v4 =	vadd.s32 v1, v4;
	_ =	sdelay $0x4  }
0x14a: {  	[tilespmem:s5], [sflag:$0x3] =	stream.indirect_vreg.gather [hbm4b:s1+s3], $0x80, v4, vm0, $0xb8;
	[tilespmem:$0x1C880] =	vst v63  }
0x14b: {  	v3 =	vperm.xlane v3, v2  }
0x14c: {  	[tilespmem:s29], [sflag:$0x3] =	stream.indirect_vreg.gather [hbm4b:s12+s3], $0x80, v4, vm0, $0xb8;
	[tilespmem:$0x1C880] =	vst v63  }
0x14d: {  	v3 =	vadd.s32 v1, v3  }
0x14e: {  	[tilespmem:s4], [sflag:$0x3] =	stream.indirect_vreg.gather [hbm4b:s13+s3], $0x80, v4, vm0, $0xb8;
	[tilespmem:$0x1C880] =	vst v63  }
0x14f: {  	_ = 	snop  }
0x150: {  	[tilespmem:s9], [sflag:$0x3] =	stream.indirect_vreg.gather [hbm4b:s14+s3], $0x80, v4, vm0, $0xb8;
	[tilespmem:$0x1C880] =	vst v63  }
0x151: {  	_ = 	snop  }
0x152: {  	[tilespmem:s10], [sflag:$0x3] =	stream.indirect_vreg.gather [hbm4b:s1+s3], $0x80, v3, vm0, $0xb8;
	[tilespmem:$0x1C880] =	vst v63  }
0x153: {  	_ = 	snop  }
0x154: {  	[tilespmem:s11], [sflag:$0x3] =	stream.indirect_vreg.gather [hbm4b:s12+s3], $0x80, v3, vm0, $0xb8;
	[tilespmem:$0x1C880] =	vst v63  }
0x155: {  	_ = 	snop  }
0x156: {  	[tilespmem:s15], [sflag:$0x3] =	stream.indirect_vreg.gather [hbm4b:s13+s3], $0x80, v3, vm0, $0xb8;
	[tilespmem:$0x1C880] =	vst v63  }
0x157: {  	_ = 	snop  }
0x158: {  	[tilespmem:s16], [sflag:$0x3] =	stream.indirect_vreg.gather [hbm4b:s14+s3], $0x80, v3, vm0, $0xb8;
	[tilespmem:$0x1C880] =	vst v63  }
0x159: {  	v3 =	vld [tilespmem:$0x18290];
	_ =	sdelay $0x4  }
0x15a: {  	v59 =	vshll.u32 v3, $0x3  }
0x15b: {  	v3 =	vand.u32 $0x7, v3;
	v4 =	vand.u32 $0xFFFFFFC0, v59  }
0x15c: {  	v3 =	vor.u32 v3, v4  }
0x15d: {  	v4 =	vperm.xlane v3, v0;
	_ =	sdelay $0x1  }
0x15e: {  	v4 =	vadd.s32 v1, v4;
	_ =	sdelay $0x4  }
0x15f: {  	[tilespmem:s17], [sflag:$0x3] =	stream.indirect_vreg.gather [hbm4b:s1+s3], $0x80, v4, vm0, $0xb8;
	[tilespmem:$0x1C880] =	vst v63  }
0x160: {  	v3 =	vperm.xlane v3, v2  }
0x161: {  	[tilespmem:s18], [sflag:$0x3] =	stream.indirect_vreg.gather [hbm4b:s12+s3], $0x80, v4, vm0, $0xb8;
	[tilespmem:$0x1C880] =	vst v63  }
0x162: {  	v3 =	vadd.s32 v1, v3  }
0x163: {  	[tilespmem:s19], [sflag:$0x3] =	stream.indirect_vreg.gather [hbm4b:s13+s3], $0x80, v4, vm0, $0xb8;
	[tilespmem:$0x1C880] =	vst v63  }
0x164: {  	_ = 	snop  }
0x165: {  	[tilespmem:s23], [sflag:$0x3] =	stream.indirect_vreg.gather [hbm4b:s14+s3], $0x80, v4, vm0, $0xb8;
	[tilespmem:$0x1C880] =	vst v63  }
0x166: {  	_ = 	snop  }
0x167: {  	[tilespmem:s25], [sflag:$0x3] =	stream.indirect_vreg.gather [hbm4b:s1+s3], $0x80, v3, vm0, $0xb8;
	[tilespmem:$0x1C880] =	vst v63  }
0x168: {  	_ = 	snop  }
0x169: {  	[tilespmem:s30], [sflag:$0x3] =	stream.indirect_vreg.gather [hbm4b:s12+s3], $0x80, v3, vm0, $0xb8;
	[tilespmem:$0x1C880] =	vst v63  }
0x16a: {  	_ = 	snop  }
0x16b: {  	[tilespmem:s31], [sflag:$0x3] =	stream.indirect_vreg.gather [hbm4b:s13+s3], $0x80, v3, vm0, $0xb8;
	[tilespmem:$0x1C880] =	vst v63  }
0x16c: {  	_ = 	snop  }
0x16d: {  	[tilespmem:s21], [sflag:$0x3] =	stream.indirect_vreg.gather [hbm4b:s14+s3], $0x80, v3, vm0, $0xb8;
	[tilespmem:$0x1C880] =	vst v63  }
0x16e: {  	_ =	swait.ge [sflag:s8], $0x8000  }
0x16f: {  	[sflag:s8] =	ssyncset.done $0x0  }
0x170: {  	s10 =	rddreg [dreg:$0xc];
	[sflag:s8] =	ssyncadd.s32 $0xFFFF8000  }
0x171: {  	[hbm4b:s10+s3] =	stream.linear.scatter [tilespmem:s3], [sflag:$0x4], $0x8000, $0x38;
	[tilespmem:$0x1C880] =	vst v63  }
0x172: {  	_ =	swait.ge [sflag:s2], $0x8000  }
0x173: {  	[sflag:s2] =	ssyncset.done $0x0  }
0x174: {  	[sflag:s2] =	ssyncadd.s32 $0xFFFF8000  }
0x175: {  	v3 =	vld [tilespmem:$0x18300];
	_ =	sdelay $0x4  }
0x176: {  	v60 =	vshll.u32 v3, $0x3  }
0x177: {  	v3 =	vand.u32 $0x7, v3;
	v4 =	vand.u32 $0xFFFFFFC0, v60  }
0x178: {  	v3 =	vor.u32 v3, v4  }
0x179: {  	v4 =	vperm.xlane v3, v0;
	_ =	sdelay $0x1  }
0x17a: {  	v4 =	vadd.s32 v1, v4;
	_ =	sdelay $0x4  }
0x17b: {  	[tilespmem:s3], [sflag:$0x1] =	stream.indirect_vreg.gather [hbm4b:s1+s3], $0x80, v4, vm0, $0xb8;
	[tilespmem:$0x1C880] =	vst v63  }
0x17c: {  	s11 =	simm.s32 $0x800;
	v3 =	vperm.xlane v3, v2  }
0x17d: {  	[tilespmem:s11], [sflag:$0x1] =	stream.indirect_vreg.gather [hbm4b:s12+s3], $0x80, v4, vm0, $0xb8;
	[tilespmem:$0x1C880] =	vst v63  }
0x17e: {  	v3 =	vadd.s32 v1, v3  }
0x17f: {  	[tilespmem:s6], [sflag:$0x1] =	stream.indirect_vreg.gather [hbm4b:s13+s3], $0x80, v4, vm0, $0xb8;
	[tilespmem:$0x1C880] =	vst v63  }
0x180: {  	s15 =	simm.s32 $0x1800  }
0x181: {  	[tilespmem:s15], [sflag:$0x1] =	stream.indirect_vreg.gather [hbm4b:s14+s3], $0x80, v4, vm0, $0xb8;
	[tilespmem:$0x1C880] =	vst v63  }
0x182: {  	s16 =	simm.s32 $0x2000  }
0x183: {  	[tilespmem:s16], [sflag:$0x1] =	stream.indirect_vreg.gather [hbm4b:s1+s3], $0x80, v3, vm0, $0xb8;
	[tilespmem:$0x1C880] =	vst v63  }
0x184: {  	s17 =	simm.s32 $0x2800  }
0x185: {  	[tilespmem:s17], [sflag:$0x1] =	stream.indirect_vreg.gather [hbm4b:s12+s3], $0x80, v3, vm0, $0xb8;
	[tilespmem:$0x1C880] =	vst v63  }
0x186: {  	s18 =	simm.s32 $0x3000  }
0x187: {  	[tilespmem:s18], [sflag:$0x1] =	stream.indirect_vreg.gather [hbm4b:s13+s3], $0x80, v3, vm0, $0xb8;
	[tilespmem:$0x1C880] =	vst v63  }
0x188: {  	s21 =	simm.s32 $0x3800  }
0x189: {  	[tilespmem:s21], [sflag:$0x1] =	stream.indirect_vreg.gather [hbm4b:s14+s3], $0x80, v3, vm0, $0xb8;
	[tilespmem:$0x1C880] =	vst v63  }
0x18a: {  	v3 =	vld [tilespmem:$0x18310];
	_ =	sdelay $0x4  }
0x18b: {  	v61 =	vshll.u32 v3, $0x3  }
0x18c: {  	v3 =	vand.u32 $0x7, v3;
	v4 =	vand.u32 $0xFFFFFFC0, v61  }
0x18d: {  	v3 =	vor.u32 v3, v4  }
0x18e: {  	v4 =	vperm.xlane v3, v0;
	_ =	sdelay $0x1  }
0x18f: {  	v4 =	vadd.s32 v1, v4;
	_ =	sdelay $0x3  }
0x190: {  	s4 =	simm.s32 $0x4000  }
0x191: {  	[tilespmem:s4], [sflag:$0x1] =	stream.indirect_vreg.gather [hbm4b:s1+s3], $0x80, v4, vm0, $0xb8;
	[tilespmem:$0x1C880] =	vst v63  }
0x192: {  	s9 =	simm.s32 $0x4800;
	v3 =	vperm.xlane v3, v2  }
0x193: {  	[tilespmem:s9], [sflag:$0x1] =	stream.indirect_vreg.gather [hbm4b:s12+s3], $0x80, v4, vm0, $0xb8;
	[tilespmem:$0x1C880] =	vst v63  }
0x194: {  	s10 =	simm.s32 $0x5000;
	v3 =	vadd.s32 v1, v3  }
0x195: {  	[tilespmem:s10], [sflag:$0x1] =	stream.indirect_vreg.gather [hbm4b:s13+s3], $0x80, v4, vm0, $0xb8;
	[tilespmem:$0x1C880] =	vst v63  }
0x196: {  	s17 =	simm.s32 $0x5800  }
0x197: {  	[tilespmem:s17], [sflag:$0x1] =	stream.indirect_vreg.gather [hbm4b:s14+s3], $0x80, v4, vm0, $0xb8;
	[tilespmem:$0x1C880] =	vst v63  }
0x198: {  	s18 =	simm.s32 $0x6000  }
0x199: {  	[tilespmem:s18], [sflag:$0x1] =	stream.indirect_vreg.gather [hbm4b:s1+s3], $0x80, v3, vm0, $0xb8;
	[tilespmem:$0x1C880] =	vst v63  }
0x19a: {  	s4 =	simm.s32 $0x6800  }
0x19b: {  	[tilespmem:s4], [sflag:$0x1] =	stream.indirect_vreg.gather [hbm4b:s12+s3], $0x80, v3, vm0, $0xb8;
	[tilespmem:$0x1C880] =	vst v63  }
0x19c: {  	s17 =	simm.s32 $0x7000  }
0x19d: {  	[tilespmem:s17], [sflag:$0x1] =	stream.indirect_vreg.gather [hbm4b:s13+s3], $0x80, v3, vm0, $0xb8;
	[tilespmem:$0x1C880] =	vst v63  }
0x19e: {  	s4 =	simm.s32 $0x7800  }
0x19f: {  	[tilespmem:s4], [sflag:$0x1] =	stream.indirect_vreg.gather [hbm4b:s14+s3], $0x80, v3, vm0, $0xb8;
	[tilespmem:$0x1C880] =	vst v63  }
0x1a0: {  	_ =	swait.ge [sflag:s7], $0x8000  }
0x1a1: {  	[sflag:s7] =	ssyncset.done $0x0  }
0x1a2: {  	s4 =	rddreg [dreg:$0xd];
	[sflag:s7] =	ssyncadd.s32 $0xFFFF8000  }
0x1a3: {  	[hbm4b:s4+s3] =	stream.linear.scatter [tilespmem:s26], [sflag:$0x5], $0x8000, $0x38;
	[tilespmem:$0x1C880] =	vst v63  }
0x1a4: {  	_ =	swait.ge [sflag:s20], $0x8000  }
0x1a5: {  	[sflag:s20] =	ssyncset.done $0x0  }
0x1a6: {  	[sflag:s20] =	ssyncadd.s32 $0xFFFF8000  }
0x1a7: {  	v3 =	vld [tilespmem:$0x18380];
	_ =	sdelay $0x4  }
0x1a8: {  	v62 =	vshll.u32 v3, $0x3  }
0x1a9: {  	v3 =	vand.u32 $0x7, v3;
	v4 =	vand.u32 $0xFFFFFFC0, v62  }
0x1aa: {  	v3 =	vor.u32 v3, v4  }
0x1ab: {  	v4 =	vperm.xlane v3, v0;
	_ =	sdelay $0x1  }
0x1ac: {  	v4 =	vadd.s32 v1, v4;
	_ =	sdelay $0x4  }
0x1ad: {  	[tilespmem:s26], [sflag:$0x2] =	stream.indirect_vreg.gather [hbm4b:s1+s3], $0x80, v4, vm0, $0xb8;
	[tilespmem:$0x1C880] =	vst v63  }
0x1ae: {  	s4 =	simm.s32 $0x8800;
	v3 =	vperm.xlane v3, v2  }
0x1af: {  	[tilespmem:s4], [sflag:$0x2] =	stream.indirect_vreg.gather [hbm4b:s12+s3], $0x80, v4, vm0, $0xb8;
	[tilespmem:$0x1C880] =	vst v63  }
0x1b0: {  	v3 =	vadd.s32 v1, v3;
	s4 =	simm.s32 $0x9000  }
0x1b1: {  	[tilespmem:s4], [sflag:$0x2] =	stream.indirect_vreg.gather [hbm4b:s13+s3], $0x80, v4, vm0, $0xb8;
	[tilespmem:$0x1C880] =	vst v63  }
0x1b2: {  	s4 =	simm.s32 $0x9800  }
0x1b3: {  	[tilespmem:s4], [sflag:$0x2] =	stream.indirect_vreg.gather [hbm4b:s14+s3], $0x80, v4, vm0, $0xb8;
	[tilespmem:$0x1C880] =	vst v63  }
0x1b4: {  	s4 =	simm.s32 $0xA000  }
0x1b5: {  	[tilespmem:s4], [sflag:$0x2] =	stream.indirect_vreg.gather [hbm4b:s1+s3], $0x80, v3, vm0, $0xb8;
	[tilespmem:$0x1C880] =	vst v63  }
0x1b6: {  	s4 =	simm.s32 $0xA800  }
0x1b7: {  	[tilespmem:s4], [sflag:$0x2] =	stream.indirect_vreg.gather [hbm4b:s12+s3], $0x80, v3, vm0, $0xb8;
	[tilespmem:$0x1C880] =	vst v63  }
0x1b8: {  	s4 =	simm.s32 $0xB000  }
0x1b9: {  	[tilespmem:s4], [sflag:$0x2] =	stream.indirect_vreg.gather [hbm4b:s13+s3], $0x80, v3, vm0, $0xb8;
	[tilespmem:$0x1C880] =	vst v63  }
0x1ba: {  	s4 =	simm.s32 $0xB800  }
0x1bb: {  	[tilespmem:s4], [sflag:$0x2] =	stream.indirect_vreg.gather [hbm4b:s14+s3], $0x80, v3, vm0, $0xb8;
	[tilespmem:$0x1C880] =	vst v63  }
0x1bc: {  	v3 =	vld [tilespmem:$0x18390];
	_ =	sdelay $0x4  }
0x1bd: {  	v63 =	vshll.u32 v3, $0x3  }
0x1be: {  	v3 =	vand.u32 $0x7, v3;
	v4 =	vand.u32 $0xFFFFFFC0, v63  }
0x1bf: {  	v3 =	vor.u32 v3, v4  }
0x1c0: {  	v4 =	vperm.xlane v3, v0;
	_ =	sdelay $0x1  }
0x1c1: {  	v4 =	vadd.s32 v1, v4;
	_ =	sdelay $0x3  }
0x1c2: {  	s4 =	simm.s32 $0xC000  }
0x1c3: {  	[tilespmem:s4], [sflag:$0x2] =	stream.indirect_vreg.gather [hbm4b:s1+s3], $0x80, v4, vm0, $0xb8;
	[tilespmem:$0x1C880] =	vst v63  }
0x1c4: {  	v3 =	vperm.xlane v3, v2;
	s4 =	simm.s32 $0xC800  }
0x1c5: {  	[tilespmem:s4], [sflag:$0x2] =	stream.indirect_vreg.gather [hbm4b:s12+s3], $0x80, v4, vm0, $0xb8;
	[tilespmem:$0x1C880] =	vst v63  }
0x1c6: {  	v3 =	vadd.s32 v1, v3;
	s4 =	simm.s32 $0xD000  }
0x1c7: {  	[tilespmem:s4], [sflag:$0x2] =	stream.indirect_vreg.gather [hbm4b:s13+s3], $0x80, v4, vm0, $0xb8;
	[tilespmem:$0x1C880] =	vst v63  }
0x1c8: {  	s4 =	simm.s32 $0xD800  }
0x1c9: {  	[tilespmem:s4], [sflag:$0x2] =	stream.indirect_vreg.gather [hbm4b:s14+s3], $0x80, v4, vm0, $0xb8;
	[tilespmem:$0x1C880] =	vst v63  }
0x1ca: {  	s4 =	simm.s32 $0xE000  }
0x1cb: {  	[tilespmem:s4], [sflag:$0x2] =	stream.indirect_vreg.gather [hbm4b:s1+s3], $0x80, v3, vm0, $0xb8;
	[tilespmem:$0x1C880] =	vst v63  }
0x1cc: {  	s4 =	simm.s32 $0xE800  }
0x1cd: {  	[tilespmem:s4], [sflag:$0x2] =	stream.indirect_vreg.gather [hbm4b:s12+s3], $0x80, v3, vm0, $0xb8;
	[tilespmem:$0x1C880] =	vst v63  }
0x1ce: {  	s4 =	simm.s32 $0xF000  }
0x1cf: {  	[tilespmem:s4], [sflag:$0x2] =	stream.indirect_vreg.gather [hbm4b:s13+s3], $0x80, v3, vm0, $0xb8;
	[tilespmem:$0x1C880] =	vst v63  }
0x1d0: {  	s4 =	simm.s32 $0xF800  }
0x1d1: {  	[tilespmem:s4], [sflag:$0x2] =	stream.indirect_vreg.gather [hbm4b:s14+s3], $0x80, v3, vm0, $0xb8;
	[tilespmem:$0x1C880] =	vst v63  }
0x1d2: {  	_ =	swait.ge [sflag:s22], $0x8000  }
0x1d3: {  	[sflag:s22] =	ssyncset.done $0x0  }
0x1d4: {  	s4 =	rddreg [dreg:$0xe];
	[sflag:s22] =	ssyncadd.s32 $0xFFFF8000  }
0x1d5: {  	[hbm4b:s4+s3] =	stream.linear.scatter [tilespmem:s5], [sflag:$0x6], $0x8000, $0x38;
	[tilespmem:$0x1C880] =	vst v63  }
0x1d6: {  	_ =	swait.ge [sflag:s8], $0x8000  }
0x1d7: {  	[sflag:s8] =	ssyncset.done $0x0  }
0x1d8: {  	s5 =	rddreg [dreg:$0xf];
	[sflag:s8] =	ssyncadd.s32 $0xFFFF8000  }
0x1d9: {  	[hbm4b:s5+s3] =	stream.linear.scatter [tilespmem:s3], [sflag:$0x4], $0x8000, $0x38;
	[tilespmem:$0x1C880] =	vst v63  }
0x1da: {  	_ =	swait.ge [sflag:s7], $0x8000  }
0x1db: {  	[sflag:s7] =	ssyncset.done $0x0  }
0x1dc: {  	[sflag:s7] =	ssyncadd.s32 $0xFFFF8000;
	s7 =	rddreg [dreg:$0x10]  }
0x1dd: {  	[hbm4b:s7+s3] =	stream.linear.scatter [tilespmem:s26], [sflag:$0x5], $0x8000, $0x38;
	[tilespmem:$0x1C880] =	vst v63  }
0x1de: {  	_ =	swait.ge [sflag:s2], $0x8000  }
0x1df: {  	[sflag:s2] =	ssyncset.done $0x0  }
0x1e0: {  	s29 =	simm.s32 $0x3800;
	s19 =	simm.s32 $0x2800;
	[sflag:s2] =	ssyncadd.s32 $0xFFFF8000  }
0x1e1: {  	s11 =	simm.s32 $0x4000;
	s6 =	simm.s32 $0x2000;
	_ =	swait.ge [sflag:s20], $0x8000  }
.Ltmp2:
0x1e2: {  	s15 =	simm.s32 $0x4800;
	[sflag:s20] =	ssyncset.done $0x0;
	(pc) =	sbr.rel @p0 .LBB2_4-.Ltmp2, $4  }
0x1e3: {  	s16 =	simm.s32 $0x5000;
	s22 =	simm.s32 $0x7;
	[sflag:s20] =	ssyncadd.s32 $0xFFFF8000  }
0x1e4: {  	s21 =	simm.s32 $0x5800;
	s9 =	simm.s32 $0x6000;
	_ =	swait.ge [sflag:s22], $0x4000  }
0x1e5: {  	s10 =	simm.s32 $0x6800;
	s18 =	simm.s32 $0x7000;
	[sflag:s22] =	ssyncset.done $0x0  }
0x1e6: {  	s17 =	simm.s32 $0x7800;
	s4 =	rddreg [dreg:$0x7];
	[sflag:s22] =	ssyncadd.s32 $0xFFFFC000  }
.Ltmp3:
0x1e7: {  	(pc) =	sbr.rel @p1 .LBB2_5-.Ltmp3, $1  }
0x1e8: {  	_ =	sdelay $0x3  }
0x1e9: {  	v3 =	vld [tilespmem:$0x18400];
	_ =	sdelay $0x4  }
0x1ea: {  	v4 =	vshll.u32 v3, $0x3  }
0x1eb: {  	v3 =	vand.u32 $0x7, v3;
	v4 =	vand.u32 $0xFFFFFFC0, v4  }
0x1ec: {  	v3 =	vor.u32 v3, v4  }
0x1ed: {  	v4 =	vperm.xlane v3, v0;
	_ =	sdelay $0x1  }
0x1ee: {  	v4 =	vadd.s32 v1, v4;
	_ =	sdelay $0x3  }
0x1ef: {  	s28 =	simm.s32 $0x0  }
0x1f0: {  	[tilespmem:s28], [sflag:$0x1] =	stream.indirect_vreg.gather [hbm4b:s1+s28], $0x80, v4, vm0, $0xb8;
	[tilespmem:$0x1C880] =	vst v63  }
0x1f1: {  	s2 =	simm.s32 $0x800;
	v3 =	vperm.xlane v3, v2  }
0x1f2: {  	[tilespmem:s2], [sflag:$0x1] =	stream.indirect_vreg.gather [hbm4b:s12+s28], $0x80, v4, vm0, $0xb8;
	[tilespmem:$0x1C880] =	vst v63  }
0x1f3: {  	s4 =	simm.s32 $0x1000;
	v3 =	vadd.s32 v1, v3  }
0x1f4: {  	[tilespmem:s4], [sflag:$0x1] =	stream.indirect_vreg.gather [hbm4b:s13+s28], $0x80, v4, vm0, $0xb8;
	[tilespmem:$0x1C880] =	vst v63  }
0x1f5: {  	s7 =	simm.s32 $0x1800  }
0x1f6: {  	[tilespmem:s7], [sflag:$0x1] =	stream.indirect_vreg.gather [hbm4b:s14+s28], $0x80, v4, vm0, $0xb8;
	[tilespmem:$0x1C880] =	vst v63  }
0x1f7: {  	_ = 	snop  }
0x1f8: {  	[tilespmem:s6], [sflag:$0x1] =	stream.indirect_vreg.gather [hbm4b:s1+s28], $0x80, v3, vm0, $0xb8;
	[tilespmem:$0x1C880] =	vst v63  }
0x1f9: {  	_ = 	snop  }
0x1fa: {  	[tilespmem:s19], [sflag:$0x1] =	stream.indirect_vreg.gather [hbm4b:s12+s28], $0x80, v3, vm0, $0xb8;
	[tilespmem:$0x1C880] =	vst v63  }
0x1fb: {  	s22 =	simm.s32 $0x3000  }
0x1fc: {  	[tilespmem:s22], [sflag:$0x1] =	stream.indirect_vreg.gather [hbm4b:s13+s28], $0x80, v3, vm0, $0xb8;
	[tilespmem:$0x1C880] =	vst v63  }
0x1fd: {  	_ = 	snop  }
0x1fe: {  	[tilespmem:s29], [sflag:$0x1] =	stream.indirect_vreg.gather [hbm4b:s14+s28], $0x80, v3, vm0, $0xb8;
	[tilespmem:$0x1C880] =	vst v63  }
0x1ff: {  	v3 =	vld [tilespmem:$0x18410];
	_ =	sdelay $0x4  }
0x200: {  	v63 =	vshll.u32 v3, $0x3  }
0x201: {  	v3 =	vand.u32 $0x7, v3;
	v4 =	vand.u32 $0xFFFFFFC0, v63  }
0x202: {  	v3 =	vor.u32 v3, v4  }
0x203: {  	v4 =	vperm.xlane v3, v0;
	_ =	sdelay $0x1  }
0x204: {  	v4 =	vadd.s32 v1, v4;
	_ =	sdelay $0x4  }
0x205: {  	[tilespmem:s11], [sflag:$0x1] =	stream.indirect_vreg.gather [hbm4b:s1+s28], $0x80, v4, vm0, $0xb8;
	[tilespmem:$0x1C880] =	vst v63  }
0x206: {  	v3 =	vperm.xlane v3, v2  }
0x207: {  	[tilespmem:s15], [sflag:$0x1] =	stream.indirect_vreg.gather [hbm4b:s12+s28], $0x80, v4, vm0, $0xb8;
	[tilespmem:$0x1C880] =	vst v63  }
0x208: {  	v3 =	vadd.s32 v1, v3  }
0x209: {  	[tilespmem:s16], [sflag:$0x1] =	stream.indirect_vreg.gather [hbm4b:s13+s28], $0x80, v4, vm0, $0xb8;
	[tilespmem:$0x1C880] =	vst v63  }
0x20a: {  	_ = 	snop  }
0x20b: {  	[tilespmem:s21], [sflag:$0x1] =	stream.indirect_vreg.gather [hbm4b:s14+s28], $0x80, v4, vm0, $0xb8;
	[tilespmem:$0x1C880] =	vst v63  }
0x20c: {  	s0 =	simm.s32 $0x800  }
0x20d: {  	[tilespmem:s9], [sflag:$0x1] =	stream.indirect_vreg.gather [hbm4b:s1+s28], $0x80, v3, vm0, $0xb8;
	[tilespmem:$0x1C880] =	vst v63  }
0x20e: {  	s5 =	simm.s32 $0x1000;
	[dreg:$0x15] =	wrdreg s0  }
0x20f: {  	[tilespmem:s10], [sflag:$0x1] =	stream.indirect_vreg.gather [hbm4b:s12+s28], $0x80, v3, vm0, $0xb8;
	[tilespmem:$0x1C880] =	vst v63  }
0x210: {  	s20 =	simm.s32 $0x1800;
	[dreg:$0x16] =	wrdreg s5  }
0x211: {  	[tilespmem:s18], [sflag:$0x1] =	stream.indirect_vreg.gather [hbm4b:s13+s28], $0x80, v3, vm0, $0xb8;
	[tilespmem:$0x1C880] =	vst v63  }
.Ltmp4:
0x212: {  	[dreg:$0x17] =	wrdreg s20;
	(pc) =	sbr.rel .LBB2_4-.Ltmp4, $4  }
0x213: {  	[tilespmem:s17], [sflag:$0x1] =	stream.indirect_vreg.gather [hbm4b:s14+s28], $0x80, v3, vm0, $0xb8;
	[tilespmem:$0x1C880] =	vst v63  }
0x214: {  	_ =	swait.ge [sflag:s8], $0x8000  }
0x215: {  	[sflag:s8] =	ssyncset.done $0x0  }
0x216: {  	s4 =	rddreg [dreg:$0x11];
	[sflag:s8] =	ssyncadd.s32 $0xFFFF8000  }
.LBB2_6:
0x217: {  	_ =	sfence.sel $0x180000  }
0x218: {  	[bflag:$0x0] =	sbarrier.arrive $0xFFFF  }
0x219: {  	_ =	strace $0x90000047  }
0x21a: {  	s0 =	stileid.u32;
	[bflag:$0x2] =	sbarrier.arrive $0xFFFF  }
0x21b: {  	p0 =	sne.s32 s0, $0x0;
	s0 =	rddreg [dreg:$0x4]  }
0x21c: {  	s0 =	sadd.s32 @!p0 $0x100000, s0  }
0x21d: {  	[sflag:s0] =	ssyncadd.tile.s32 @!p0 $0x1;
	_ =	shalt  }
.Lfunc_end2:
_tile_overlayer_lowered:
.L_overlay_start_2:
0x21e: {  	(tag) =	ssettag $0x2  }
0x21f: {  	s0 =	rddreg [dreg:$0x0];
	s2 =	stileid.u32  }
0x220: {  	s1 =	rddreg [dreg:$0x1];
	p0 =	sne.s32 s2, $0x0  }
0x221: {  	s3 =	rddreg [dreg:$0x2];
	[bflag:$0x3] =	sbarrier.arrive $0xFFFF;
	s2 =	simm.s32 @!p0 $0x1C08  }
0x222: {  	[timem:s3], [sflag:s2] =	dma.local @!p0 [hbm:s0], s1  }
0x223: {  	s0 =	simm.s32 @!p0 $0x8  }
0x224: {  	_ =	swait.ge @!p0 [sflag:s0], s1  }
0x225: {  	s1 =	ssub.s32 @!p0 $0x0, s1;
	[sflag:s0] =	ssyncset.done @!p0 $0x0  }
0x226: {  	[sflag:s0] =	ssyncadd.s32 @!p0 s1  }
0x227: {  	[bflag:$0x3] =	sbarrier.arrive $0xFFFF  }
0x228: {  	_ =	shalt  }

</sc_bundles>
